<compile_context>
chip_gen: v7x
topology: tpu7x:2x2x1
jax: 0.10.2.dev20260603
libtpu: 0.0.44.dev20260713+nightly
codegen_flags: <defaults>
</compile_context>

<pallas_src>
import functools

import jax
import jax.numpy as jnp
from jax import lax
from jax.experimental import pallas as pl
from jax.experimental.pallas import tpu as pltpu
from jax.experimental.pallas import tpu_sc as plsc

_GAMMA = 2.0
_ALPHA = 0.5
_NUM_HARD = 2
_RECON_SCALE = 1e-06

_NC = 2
_NS = 16
_NW = _NC * _NS

_NEG_INF = float("-inf")


def _sigmoid(x):
    return jnp.where(
        x >= 0.0,
        1.0 / (1.0 + jnp.exp(-x)),
        jnp.exp(x) / (1.0 + jnp.exp(x)),
    )


def _tc_main(o3, l3, im2, re2, grid):
    ngroups = o3.shape[0]
    gb = ngroups // grid
    rv = im2.shape[0] // grid

    def body(o_ref, l_ref, im_ref, re_ref, acc_ref, z_ref):
        g = pl.program_id(0)

        @pl.when(g == 0)
        def _init():
            acc_ref[...] = jnp.zeros_like(acc_ref)

        s = o_ref[:, 0:24, :]
        c = l_ref[:, 0:24, :]
        pos = c > 0.5
        neg = c < -0.5
        p = _sigmoid(s)
        logp = jnp.log(p)
        focal = -((1.0 - p) ** 2) * ((1.0 - _ALPHA) * logp)
        focal = jnp.where(pos, focal, 0.0)

        def lanesum(x):
            v = jnp.sum(x.reshape(gb * 24, 24), axis=0, keepdims=True)
            return jnp.concatenate(
                [v, jnp.zeros((1, 104), jnp.float32)], axis=1)

        rows = [lanesum(focal)]
        for w in (1, 2, 3, 4):
            dw = o_ref[:, 24 * w:24 * w + 24, :] - l_ref[:, 24 * w:24 * w + 24, :]
            ad = jnp.abs(dw)
            l1 = jnp.where(ad < 1.0, 0.5 * dw * dw, ad - 0.5)
            rows.append(lanesum(jnp.where(pos, l1, 0.0)))
        rows.append(lanesum(pos.astype(jnp.float32)))
        rows.append(lanesum((pos & (p >= 0.5)).astype(jnp.float32)))
        rows.append(lanesum(neg.astype(jnp.float32)))

        dr = re_ref[...] - im_ref[...]
        v = jnp.sum(dr * dr, axis=0, keepdims=True)
        rows.append(jnp.concatenate(
            [v, jnp.zeros((1, 32), jnp.float32)], axis=1))

        upd = jnp.concatenate(rows, axis=0)
        upd = jnp.concatenate(
            [upd, jnp.zeros((16 - len(rows), 128), jnp.float32)], axis=0)
        acc_ref[...] += upd

        z = jnp.where(neg, s, _NEG_INF).reshape(gb * 24, 24)
        z_ref[...] = jnp.concatenate(
            [z, jnp.full((gb * 24, 104), _NEG_INF, jnp.float32)], axis=1)

    return pl.pallas_call(
        body,
        grid=(grid,),
        in_specs=[
            pl.BlockSpec((gb, 120, 24), lambda g: (g, 0, 0)),
            pl.BlockSpec((gb, 120, 24), lambda g: (g, 0, 0)),
            pl.BlockSpec((rv, 96), lambda g: (g, 0)),
            pl.BlockSpec((rv, 96), lambda g: (g, 0)),
        ],
        out_specs=[
            pl.BlockSpec((16, 128), lambda g: (0, 0)),
            pl.BlockSpec((gb * 24, 128), lambda g: (g, 0)),
        ],
        out_shape=[
            jax.ShapeDtypeStruct((16, 128), jnp.float32),
            jax.ShapeDtypeStruct((ngroups * 24, 128), jnp.float32),
        ],
    )(o3, l3, im2, re2)


def _sc_topk(z_flat):
    per_tile = z_flat.shape[0] // _NW
    rows = per_tile // 128

    mesh = plsc.VectorSubcoreMesh(
        core_axis_name="c", subcore_axis_name="s",
        num_cores=_NC, num_subcores=_NS)

    ch = 4
    nchunks = rows // ch
    cwords = ch * 128

    @functools.partial(
        pl.kernel,
        out_type=jax.ShapeDtypeStruct((_NW, 16), jnp.float32),
        mesh=mesh,
        compiler_params=pltpu.CompilerParams(needs_layout_passes=False),
        scratch_types=[
            pltpu.VMEM((per_tile,), jnp.float32),
            pltpu.VMEM((16,), jnp.float32),
        ],
    )
    def topk_kernel(z_hbm, cand_hbm, z_v, c_v):
        wid = lax.axis_index("s") * _NC + lax.axis_index("c")
        base = wid * per_tile
        pltpu.sync_copy(z_hbm.at[pl.ds(base, per_tile)], z_v)

        zero_idx = jnp.zeros((16,), jnp.int32)

        def vecs(b):
            return [z_v[pl.ds(b + r * 128 + o, 16)]
                    for r in range(ch) for o in (0, 16)]

        def p1(i, m):
            for v in vecs(i * cwords):
                m = jnp.maximum(m, v)
            return m

        m = lax.fori_loop(0, nchunks,
                          p1, jnp.full((16,), _NEG_INF, jnp.float32))
        cand0 = lax.sort(m)
        thresh0 = jnp.take(cand0, zero_idx)

        def merge(cand, z):
            zs = lax.sort(z)
            zrev = lax.rev(zs, (0,))
            return lax.sort(jnp.maximum(cand, zrev))

        def p2(i, carry):
            cand, thresh = carry
            vs = vecs(i * cwords)
            zmax = vs[0]
            for v in vs[1:]:
                zmax = jnp.maximum(zmax, v)
            hit = jnp.any(zmax > thresh)

            def do_merge():
                c, t = cand, thresh
                for v in vs:
                    def _yes(c=c, v=v):
                        cm = merge(c, v)
                        return cm, jnp.take(cm, zero_idx)

                    def _no(c=c, t=t):
                        return c, t

                    c, t = lax.cond(jnp.any(v > t), _yes, _no)
                return c, t

            return lax.cond(hit, do_merge, lambda: (cand, thresh))

        cand, _ = lax.fori_loop(0, nchunks, p2, (cand0, thresh0))
        c_v[...] = cand
        pltpu.sync_copy(c_v, cand_hbm.at[wid])

    return topk_kernel(z_flat)


def _tc_finalize(acc, cands_t, k, n_vox):

    def body(acc_ref, cand_ref, out_ref):
        a = acc_ref[...]
        f_pos = jnp.sum(a[0:1, :])
        s1 = jnp.sum(a[1:2, :])
        s2 = jnp.sum(a[2:3, :])
        s3 = jnp.sum(a[3:4, :])
        s4 = jnp.sum(a[4:5, :])
        pos_cnt = jnp.sum(a[5:6, :])
        pos_cor = jnp.sum(a[6:7, :])
        neg_cnt = jnp.sum(a[7:8, :])
        sse = jnp.sum(a[8:9, :])

        x = cand_ref[...]
        si = lax.broadcasted_iota(jnp.int32, (16, 128), 0)
        li = lax.broadcasted_iota(jnp.int32, (16, 128), 1)

        def swap_sub(v, d):
            return jnp.where((si & d) == 0,
                             pltpu.roll(v, 16 - d, axis=0),
                             pltpu.roll(v, d, axis=0))

        def swap_lane(v, d):
            return jnp.where((li & d) == 0,
                             pltpu.roll(v, 128 - d, axis=1),
                             pltpu.roll(v, d, axis=1))

        def rank_rev(v):
            for d in (8, 4, 2, 1):
                v = swap_sub(v, d)
            return v

        def rank_sort(v):
            for d in (8, 4, 2, 1):
                p = swap_sub(v, d)
                v = jnp.where((si & d) == 0,
                              jnp.minimum(v, p), jnp.maximum(v, p))
            return v

        for d in (1, 2, 4, 8, 16):
            x = rank_sort(jnp.maximum(x, rank_rev(swap_lane(x, d))))

        valid = (x > -jnp.inf) & (li == 0)
        p = _sigmoid(x)
        pt = 1.0 - p
        contrib = -((1.0 - pt) ** 2) * (_ALPHA * jnp.log(pt))
        neg_f = jnp.sum(jnp.where(valid, contrib, 0.0))
        neg_c = jnp.sum(jnp.where(valid & (p < 0.5), 1.0, 0.0))

        neg_k = jnp.minimum(neg_cnt, jnp.float32(k))
        classify = (f_pos + neg_f) / (pos_cnt + neg_k)
        denom = jnp.maximum(pos_cnt, 1.0)
        rl1 = jnp.where(pos_cnt > 0, s1 / denom, 0.0)
        rl2 = jnp.where(pos_cnt > 0, s2 / denom, 0.0)
        rl3 = jnp.where(pos_cnt > 0, s3 / denom, 0.0)
        rl4 = jnp.where(pos_cnt > 0, s4 / denom, 0.0)
        recon = _RECON_SCALE * (sse / jnp.float32(n_vox))
        loss = classify + rl1 + rl2 + rl3 + rl4 + recon

        lo = lax.broadcasted_iota(jnp.int32, (1, 128), 1)
        vec = jnp.where(lo == 0, loss,
              jnp.where(lo == 1, classify,
              jnp.where(lo == 2, rl1,
              jnp.where(lo == 3, rl2,
              jnp.where(lo == 4, rl3,
              jnp.where(lo == 5, rl4,
              jnp.where(lo == 6, pos_cor,
              jnp.where(lo == 7, pos_cnt,
              jnp.where(lo == 8, neg_c,
              jnp.where(lo == 9, neg_k,
              jnp.where(lo == 10, recon, 0.0)))))))))))
        out_ref[...] = vec

    return pl.pallas_call(
        body,
        out_shape=jax.ShapeDtypeStruct((1, 128), jnp.float32),
    )(acc, cands_t)


def kernel(output, labels, images, reconstructions):
    b, g1, g2, g3, na, nw = output.shape
    n_rows = output.size // nw
    k = min(_NUM_HARD * b, n_rows)

    ot = jnp.transpose(output, (0, 1, 4, 5, 2, 3)).reshape(-1, 120, g3)
    lt = jnp.transpose(labels, (0, 1, 4, 5, 2, 3)).reshape(-1, 120, g3)
    im2 = images.reshape(-1, images.shape[-1])
    re2 = reconstructions.reshape(-1, reconstructions.shape[-1])

    acc, z = _tc_main(ot, lt, im2, re2, grid=12)
    cands = _sc_topk(z.reshape(-1))
    cands_t = jnp.pad(cands.T, ((0, 0), (0, 128 - _NW)),
                      constant_values=_NEG_INF)
    res = _tc_finalize(acc, cands_t, k, images.size)

    r = res[0]
    i32 = jnp.int32
    return (
        r[0], r[1], r[2], r[3], r[4], r[5],
        r[6].astype(i32), r[7].astype(i32),
        r[8].astype(i32), r[9].astype(i32),
        r[10],
    )

# --- scband reference (transcript-rebuilt; emitter-appended) ---
"""Pipeline reference for scband-focal-loss-8753143349797 (READ-ONLY COPY).

The authoritative reference and input builder live on the scoring server;
editing this copy changes nothing except your own understanding.
"""

import jax, jax.numpy as jnp
import numpy as np

GAMMA = 2.0
ALPHA = 0.5
NUM_HARD = 2
RECON_SCALE = 1e-06


def _binary_focal_sum(p, t, w=None):
    p = p.reshape(-1, 1)
    t = t.reshape(-1, 1).astype(jnp.float32)
    pt = p * t + (1.0 - p) * (1.0 - t)
    logpt = jnp.log(pt)
    at = (1.0 - ALPHA) * t + ALPHA * (1.0 - t)
    logpt = logpt * at
    loss = -1.0 * (1.0 - pt) ** GAMMA * logpt
    if w is not None:
        loss = jnp.where(w.reshape(-1, 1), loss, 0.0)
    return loss.sum()


def _smooth_l1(x, y):
    d = x - y
    ad = jnp.abs(d)
    return jnp.mean(jnp.where(ad < 1.0, 0.5 * d * d, ad - 0.5))


def _smooth_l1_masked(x, y, m, cnt):
    d = x - y
    ad = jnp.abs(d)
    l = jnp.where(ad < 1.0, 0.5 * d * d, ad - 0.5)
    l = jnp.where(m, l, 0.0)
    return jnp.where(cnt > 0, l.sum() / jnp.maximum(cnt, 1.0), 0.0)


def setup_inputs(seed: int = 0):
    key = jax.random.key(seed)
    kO, kC, kR, kI, kRe = jax.random.split(key, 5)
    B, G, A = 8, 24, 3
    output = jax.random.normal(kO, (B, G, G, G, A, 5), dtype=jnp.float32)
    cls = jax.random.randint(kC, (B, G, G, G, A, 1), 0, 3).astype(jnp.float32) - 1.0
    reg = jax.random.normal(kR, (B, G, G, G, A, 4), dtype=jnp.float32)
    labels = jnp.concatenate([cls, reg], axis=-1)
    images = jax.random.normal(kI, (B, 1, 96, 96, 96), dtype=jnp.float32)
    reconstructions = jax.random.normal(kRe, (B, 1, 96, 96, 96), dtype=jnp.float32)
    return {"output": output, "labels": labels, "images": images, "reconstructions": reconstructions}


def reference(output, labels, images, reconstructions):
    batch_size = labels.shape[0]
    out = output.reshape(-1, 5)
    lab = labels.reshape(-1, 5)
    pos_mask = lab[:, 0] > 0.5
    neg_mask = lab[:, 0] < -0.5
    pos_count = jnp.sum(pos_mask)
    neg_count = jnp.sum(neg_mask)
    neg_scores = jnp.where(neg_mask, out[:, 0], -jnp.inf)
    k = min(NUM_HARD * batch_size, out.shape[0])
    neg_output, idcs = jax.lax.top_k(neg_scores, k)
    neg_valid = jnp.take(neg_mask, idcs)
    neg_labels = jnp.take(lab[:, 0], idcs)
    neg_prob = jax.nn.sigmoid(neg_output)
    neg_k = jnp.minimum(neg_count, k)
    pos_prob = jax.nn.sigmoid(out[:, 0])
    pcf = pos_count.astype(jnp.float32)
    rl = [_smooth_l1_masked(out[:, i], lab[:, i], pos_mask, pcf) for i in range(1, 5)]
    classify_loss = _binary_focal_sum(pos_prob, lab[:, 0], pos_mask) + _binary_focal_sum(neg_prob, neg_labels + 1.0, neg_valid)
    classify_loss = classify_loss / (pcf + neg_k.astype(jnp.float32))
    pos_correct = jnp.sum((pos_prob >= 0.5) & pos_mask)
    pos_total = pos_count
    loss = classify_loss
    for r in rl:
        loss = loss + r
    reconstruction_loss = RECON_SCALE * jnp.mean((reconstructions - images) ** 2)
    loss = loss + reconstruction_loss
    neg_correct = jnp.sum((neg_prob < 0.5) & neg_valid)
    neg_total = neg_k
    return (loss, classify_loss, rl[0], rl[1], rl[2], rl[3], pos_correct, jnp.array(pos_total), neg_correct, jnp.array(neg_total), reconstruction_loss)

if __name__ == "__main__":
    import jax
    _d = setup_inputs()
    print(jax.jit(kernel)(*tuple(_d.values())))

</pallas_src>

<mosaic_0001>
#map = affine_map<(d0, d1) -> (0)>
#map1 = affine_map<(d0, d1) -> (0, 0)>
module attributes {stable_mosaic.version = 14 : i64} {
  func.func @topk_kernel(%arg0: i32, %arg1: i32, %arg2: memref<1769472xf32, #tpu.memory_space<hbm>>, %arg3: memref<32x16xf32, #tpu.memory_space<hbm>>, %arg4: memref<55296xf32, #tpu.memory_space<vmem>>, %arg5: memref<16xf32, #tpu.memory_space<vmem>>) attributes {dimension_semantics = [#tpu.dimension_semantics<core_parallel>, #tpu.dimension_semantics<subcore_parallel>], iteration_bounds = array<i64: 2, 16>, scalar_prefetch = 0 : i64, scratch_operands = 2 : i64, tpu.core_type = #tpu.core_type<sc_vector_subcore>, window_params = [{transform_indices = #map}, {transform_indices = #map1}]} {
    %mul3A = arith.constant 2 : i32
    %mul3A_0 = arith.muli %arg1, %mul3A : i32
    %add3A = arith.addi %mul3A_0, %arg0 : i32
    %mul3A_1 = arith.constant 55296 : i32
    %mul3A_2 = arith.muli %add3A, %mul3A_1 : i32
    "tpu.region"() ({
      %run_scoped3A = tpu.sem_alloc : memref<!tpu.dma_semaphore, #tpu.memory_space<semaphore_mem>>
      %dma_start3A = tpu.memref_slice %arg2[%mul3A_2] : memref<1769472xf32, #tpu.memory_space<hbm>> -> memref<55296xf32, #tpu.memory_space<hbm>>
      %dma_start3A_28 = tpu.memref_slice %arg2[%mul3A_2] : memref<1769472xf32, #tpu.memory_space<hbm>> -> memref<55296xf32, #tpu.memory_space<hbm>>
      tpu.enqueue_dma source(%dma_start3A_28 : memref<55296xf32, #tpu.memory_space<hbm>>) target(%arg4 : memref<55296xf32, #tpu.memory_space<vmem>>) target_semaphore(%run_scoped3A : memref<!tpu.dma_semaphore, #tpu.memory_space<semaphore_mem>>)
      %dma_wait3A = tpu.memref_slice %arg2[%mul3A_2] : memref<1769472xf32, #tpu.memory_space<hbm>> -> memref<55296xf32, #tpu.memory_space<hbm>>
      %dma_wait3A_29 = tpu.memref_slice %arg2[%mul3A_2] : memref<1769472xf32, #tpu.memory_space<hbm>> -> memref<55296xf32, #tpu.memory_space<hbm>>
      tpu.wait_dma2 semaphore(%run_scoped3A : memref<!tpu.dma_semaphore, #tpu.memory_space<semaphore_mem>>) src(%dma_wait3A_29 : memref<55296xf32, #tpu.memory_space<hbm>>) dst(%arg4 : memref<55296xf32, #tpu.memory_space<vmem>>)
      tpu.yield
    }) : () -> ()
    %broadcast_in_dim3A = arith.constant 0 : i32
    %broadcast_in_dim3A_3 = vector.broadcast %broadcast_in_dim3A : i32 to vector<16xi32>
    %broadcast_in_dim3A_4 = arith.constant 0xFF800000 : f32
    %broadcast_in_dim3A_5 = vector.broadcast %broadcast_in_dim3A_4 : f32 to vector<16xf32>
    %scan3A = arith.constant 0 : i32
    %scan3A_6 = arith.constant 108 : i32
    %scan3A_7 = arith.addi %scan3A, %scan3A_6 : i32
    %scan3A_8 = arith.constant 1 : i32
    %scan3A_9 = scf.for %scan3A_28 = %scan3A to %scan3A_7 step %scan3A_8 iter_args(%scan3A_29 = %broadcast_in_dim3A_5) -> (vector<16xf32>)  : i32 {
      %mul3A_30 = arith.constant 512 : i32
      %mul3A_31 = arith.muli %scan3A_28, %mul3A_30 : i32
      %add3A_32 = arith.constant 0 : i32
      %add3A_33 = arith.addi %mul3A_31, %add3A_32 : i32
      %add3A_34 = arith.constant 0 : i32
      %add3A_35 = arith.addi %add3A_33, %add3A_34 : i32
      %get3A = arith.index_cast %add3A_35 : i32 to index
      %get3A_36 = tpu.vector_load %arg4[%get3A] {strides = array<i32>} : memref<55296xf32, #tpu.memory_space<vmem>>, vector<16xf32>,
      %add3A_37 = arith.constant 0 : i32
      %add3A_38 = arith.addi %mul3A_31, %add3A_37 : i32
      %add3A_39 = arith.constant 16 : i32
      %add3A_40 = arith.addi %add3A_38, %add3A_39 : i32
      %get3A_41 = arith.index_cast %add3A_40 : i32 to index
      %get3A_42 = tpu.vector_load %arg4[%get3A_41] {strides = array<i32>} : memref<55296xf32, #tpu.memory_space<vmem>>, vector<16xf32>,
      %add3A_43 = arith.constant 128 : i32
      %add3A_44 = arith.addi %mul3A_31, %add3A_43 : i32
      %add3A_45 = arith.constant 0 : i32
      %add3A_46 = arith.addi %add3A_44, %add3A_45 : i32
      %get3A_47 = arith.index_cast %add3A_46 : i32 to index
      %get3A_48 = tpu.vector_load %arg4[%get3A_47] {strides = array<i32>} : memref<55296xf32, #tpu.memory_space<vmem>>, vector<16xf32>,
      %add3A_49 = arith.constant 128 : i32
      %add3A_50 = arith.addi %mul3A_31, %add3A_49 : i32
      %add3A_51 = arith.constant 16 : i32
      %add3A_52 = arith.addi %add3A_50, %add3A_51 : i32
      %get3A_53 = arith.index_cast %add3A_52 : i32 to index
      %get3A_54 = tpu.vector_load %arg4[%get3A_53] {strides = array<i32>} : memref<55296xf32, #tpu.memory_space<vmem>>, vector<16xf32>,
      %add3A_55 = arith.constant 256 : i32
      %add3A_56 = arith.addi %mul3A_31, %add3A_55 : i32
      %add3A_57 = arith.constant 0 : i32
      %add3A_58 = arith.addi %add3A_56, %add3A_57 : i32
      %get3A_59 = arith.index_cast %add3A_58 : i32 to index
      %get3A_60 = tpu.vector_load %arg4[%get3A_59] {strides = array<i32>} : memref<55296xf32, #tpu.memory_space<vmem>>, vector<16xf32>,
      %add3A_61 = arith.constant 256 : i32
      %add3A_62 = arith.addi %mul3A_31, %add3A_61 : i32
      %add3A_63 = arith.constant 16 : i32
      %add3A_64 = arith.addi %add3A_62, %add3A_63 : i32
      %get3A_65 = arith.index_cast %add3A_64 : i32 to index
      %get3A_66 = tpu.vector_load %arg4[%get3A_65] {strides = array<i32>} : memref<55296xf32, #tpu.memory_space<vmem>>, vector<16xf32>,
      %add3A_67 = arith.constant 384 : i32
      %add3A_68 = arith.addi %mul3A_31, %add3A_67 : i32
      %add3A_69 = arith.constant 0 : i32
      %add3A_70 = arith.addi %add3A_68, %add3A_69 : i32
      %get3A_71 = arith.index_cast %add3A_70 : i32 to index
      %get3A_72 = tpu.vector_load %arg4[%get3A_71] {strides = array<i32>} : memref<55296xf32, #tpu.memory_space<vmem>>, vector<16xf32>,
      %add3A_73 = arith.constant 384 : i32
      %add3A_74 = arith.addi %mul3A_31, %add3A_73 : i32
      %add3A_75 = arith.constant 16 : i32
      %add3A_76 = arith.addi %add3A_74, %add3A_75 : i32
      %get3A_77 = arith.index_cast %add3A_76 : i32 to index
      %get3A_78 = tpu.vector_load %arg4[%get3A_77] {strides = array<i32>} : memref<55296xf32, #tpu.memory_space<vmem>>, vector<16xf32>,
      %max3A = arith.maximumf %scan3A_29, %get3A_36 : vector<16xf32>
      %max3A_79 = arith.maximumf %max3A, %get3A_42 : vector<16xf32>
      %max3A_80 = arith.maximumf %max3A_79, %get3A_48 : vector<16xf32>
      %max3A_81 = arith.maximumf %max3A_80, %get3A_54 : vector<16xf32>
      %max3A_82 = arith.maximumf %max3A_81, %get3A_60 : vector<16xf32>
      %max3A_83 = arith.maximumf %max3A_82, %get3A_66 : vector<16xf32>
      %max3A_84 = arith.maximumf %max3A_83, %get3A_72 : vector<16xf32>
      %max3A_85 = arith.maximumf %max3A_84, %get3A_78 : vector<16xf32>
      scf.yield %max3A_85 : vector<16xf32>
    }
    %scan3A_10 = arith.constant 108 : i32
    %sort3A = arith.constant dense<true> : vector<16xi1>
    %sort3A_11, %sort3A_12, %sort3A_13 = tpu.sort %scan3A_9, %scan3A_9 masked %sort3A : (vector<16xf32>, vector<16xf32>, vector<16xi1>) -> (vector<16xi1>, vector<16xf32>, vector<16xf32>)
    %lt3A = arith.constant 0 : i32
    %lt3A_14 = vector.broadcast %lt3A : i32 to vector<16xi32>
    %lt3A_15 = arith.cmpi slt, %broadcast_in_dim3A_3, %lt3A_14 : vector<16xi32>
    %add3A_16 = arith.constant 16 : i32
    %add3A_17 = vector.broadcast %add3A_16 : i32 to vector<16xi32>
    %add3A_18 = arith.addi %broadcast_in_dim3A_3, %add3A_17 : vector<16xi32>
    %select_n3A = arith.select %lt3A_15, %add3A_18, %broadcast_in_dim3A_3 : vector<16xi1>, vector<16xi32>
    %broadcast_in_dim3A_19 = vector.shape_cast %select_n3A : vector<16xi32> to vector<16x1xi32>
    %gather3A = vector.shape_cast %broadcast_in_dim3A_19 : vector<16x1xi32> to vector<16xi32>
    %gather3A_20 = tpu.dynamic_gather %sort3A_12[%gather3A] in [0] : vector<16xf32>, vector<16xi32> -> vector<16xf32>
    %scan3A_21 = arith.constant 0 : i32
    %scan3A_22 = arith.constant 108 : i32
    %scan3A_23 = arith.addi %scan3A_21, %scan3A_22 : i32
    %scan3A_24 = arith.constant 1 : i32
    %scan3A_25:2 = scf.for %scan3A_28 = %scan3A_21 to %scan3A_23 step %scan3A_24 iter_args(%scan3A_29 = %sort3A_12, %scan3A_30 = %gather3A_20) -> (vector<16xf32>, vector<16xf32>)  : i32 {
      %mul3A_31 = arith.constant 512 : i32
      %mul3A_32 = arith.muli %scan3A_28, %mul3A_31 : i32
      %add3A_33 = arith.constant 0 : i32
      %add3A_34 = arith.addi %mul3A_32, %add3A_33 : i32
      %add3A_35 = arith.constant 0 : i32
      %add3A_36 = arith.addi %add3A_34, %add3A_35 : i32
      %get3A = arith.index_cast %add3A_36 : i32 to index
      %get3A_37 = tpu.vector_load %arg4[%get3A] {strides = array<i32>} : memref<55296xf32, #tpu.memory_space<vmem>>, vector<16xf32>,
      %add3A_38 = arith.constant 0 : i32
      %add3A_39 = arith.addi %mul3A_32, %add3A_38 : i32
      %add3A_40 = arith.constant 16 : i32
      %add3A_41 = arith.addi %add3A_39, %add3A_40 : i32
      %get3A_42 = arith.index_cast %add3A_41 : i32 to index
      %get3A_43 = tpu.vector_load %arg4[%get3A_42] {strides = array<i32>} : memref<55296xf32, #tpu.memory_space<vmem>>, vector<16xf32>,
      %add3A_44 = arith.constant 128 : i32
      %add3A_45 = arith.addi %mul3A_32, %add3A_44 : i32
      %add3A_46 = arith.constant 0 : i32
      %add3A_47 = arith.addi %add3A_45, %add3A_46 : i32
      %get3A_48 = arith.index_cast %add3A_47 : i32 to index
      %get3A_49 = tpu.vector_load %arg4[%get3A_48] {strides = array<i32>} : memref<55296xf32, #tpu.memory_space<vmem>>, vector<16xf32>,
      %add3A_50 = arith.constant 128 : i32
      %add3A_51 = arith.addi %mul3A_32, %add3A_50 : i32
      %add3A_52 = arith.constant 16 : i32
      %add3A_53 = arith.addi %add3A_51, %add3A_52 : i32
      %get3A_54 = arith.index_cast %add3A_53 : i32 to index
      %get3A_55 = tpu.vector_load %arg4[%get3A_54] {strides = array<i32>} : memref<55296xf32, #tpu.memory_space<vmem>>, vector<16xf32>,
      %add3A_56 = arith.constant 256 : i32
      %add3A_57 = arith.addi %mul3A_32, %add3A_56 : i32
      %add3A_58 = arith.constant 0 : i32
      %add3A_59 = arith.addi %add3A_57, %add3A_58 : i32
      %get3A_60 = arith.index_cast %add3A_59 : i32 to index
      %get3A_61 = tpu.vector_load %arg4[%get3A_60] {strides = array<i32>} : memref<55296xf32, #tpu.memory_space<vmem>>, vector<16xf32>,
      %add3A_62 = arith.constant 256 : i32
      %add3A_63 = arith.addi %mul3A_32, %add3A_62 : i32
      %add3A_64 = arith.constant 16 : i32
      %add3A_65 = arith.addi %add3A_63, %add3A_64 : i32
      %get3A_66 = arith.index_cast %add3A_65 : i32 to index
      %get3A_67 = tpu.vector_load %arg4[%get3A_66] {strides = array<i32>} : memref<55296xf32, #tpu.memory_space<vmem>>, vector<16xf32>,
      %add3A_68 = arith.constant 384 : i32
      %add3A_69 = arith.addi %mul3A_32, %add3A_68 : i32
      %add3A_70 = arith.constant 0 : i32
      %add3A_71 = arith.addi %add3A_69, %add3A_70 : i32
      %get3A_72 = arith.index_cast %add3A_71 : i32 to index
      %get3A_73 = tpu.vector_load %arg4[%get3A_72] {strides = array<i32>} : memref<55296xf32, #tpu.memory_space<vmem>>, vector<16xf32>,
      %add3A_74 = arith.constant 384 : i32
      %add3A_75 = arith.addi %mul3A_32, %add3A_74 : i32
      %add3A_76 = arith.constant 16 : i32
      %add3A_77 = arith.addi %add3A_75, %add3A_76 : i32
      %get3A_78 = arith.index_cast %add3A_77 : i32 to index
      %get3A_79 = tpu.vector_load %arg4[%get3A_78] {strides = array<i32>} : memref<55296xf32, #tpu.memory_space<vmem>>, vector<16xf32>,
      %max3A = arith.maximumf %get3A_37, %get3A_43 : vector<16xf32>
      %max3A_80 = arith.maximumf %max3A, %get3A_49 : vector<16xf32>
      %max3A_81 = arith.maximumf %max3A_80, %get3A_55 : vector<16xf32>
      %max3A_82 = arith.maximumf %max3A_81, %get3A_61 : vector<16xf32>
      %max3A_83 = arith.maximumf %max3A_82, %get3A_67 : vector<16xf32>
      %max3A_84 = arith.maximumf %max3A_83, %get3A_73 : vector<16xf32>
      %max3A_85 = arith.maximumf %max3A_84, %get3A_79 : vector<16xf32>
      %gt3A = arith.cmpf ogt, %max3A_85, %scan3A_30 : vector<16xf32>
      %reduce_or3A = arith.constant 1.000000e+00 : f32
      %reduce_or3A_86 = arith.constant 0.000000e+00 : f32
      %reduce_or3A_87 = vector.broadcast %reduce_or3A : f32 to vector<16xf32>
      %reduce_or3A_88 = vector.broadcast %reduce_or3A_86 : f32 to vector<16xf32>
      %reduce_or3A_89 = arith.select %gt3A, %reduce_or3A_87, %reduce_or3A_88 : vector<16xi1>, vector<16xf32>
      %reduce_or3A_90 = arith.constant true
      %reduce_or3A_91 = vector.broadcast %reduce_or3A_90 : i1 to vector<16xi1>
      %reduce_or3A_92 = tpu.scan <max>, %reduce_or3A_89 masked %reduce_or3A_91 : vector<16xf32>, vector<16xi1> -> vector<16xf32>
      %reduce_or3A_93 = vector.extract %reduce_or3A_92[15] : f32 from vector<16xf32>
      %reduce_or3A_94 = arith.constant 0.000000e+00 : f32
      %reduce_or3A_95 = arith.cmpf ogt, %reduce_or3A_93, %reduce_or3A_94 : f32
      %convert_element_type3A = arith.extui %reduce_or3A_95 : i1 to i32
      %cond3A = arith.constant 0 : i32
      %cond3A_96 = arith.cmpi ne, %convert_element_type3A, %cond3A : i32
      %cond3A_97:2 = scf.if %cond3A_96 -> (vector<16xf32>, vector<16xf32>) {
        %gt3A_98 = arith.cmpf ogt, %get3A_37, %scan3A_30 : vector<16xf32>
        %reduce_or3A_99 = arith.constant 1.000000e+00 : f32
        %reduce_or3A_100 = arith.constant 0.000000e+00 : f32
        %reduce_or3A_101 = vector.broadcast %reduce_or3A_99 : f32 to vector<16xf32>
        %reduce_or3A_102 = vector.broadcast %reduce_or3A_100 : f32 to vector<16xf32>
        %reduce_or3A_103 = arith.select %gt3A_98, %reduce_or3A_101, %reduce_or3A_102 : vector<16xi1>, vector<16xf32>
        %reduce_or3A_104 = arith.constant true
        %reduce_or3A_105 = vector.broadcast %reduce_or3A_104 : i1 to vector<16xi1>
        %reduce_or3A_106 = tpu.scan <max>, %reduce_or3A_103 masked %reduce_or3A_105 : vector<16xf32>, vector<16xi1> -> vector<16xf32>
        %reduce_or3A_107 = vector.extract %reduce_or3A_106[15] : f32 from vector<16xf32>
        %reduce_or3A_108 = arith.constant 0.000000e+00 : f32
        %reduce_or3A_109 = arith.cmpf ogt, %reduce_or3A_107, %reduce_or3A_108 : f32
        %convert_element_type3A_110 = arith.extui %reduce_or3A_109 : i1 to i32
        %cond3A_111 = arith.constant 0 : i32
        %cond3A_112 = arith.cmpi ne, %convert_element_type3A_110, %cond3A_111 : i32
        %cond3A_113:2 = scf.if %cond3A_112 -> (vector<16xf32>, vector<16xf32>) {
          %sort3A_226 = arith.constant dense<true> : vector<16xi1>
          %sort3A_227, %sort3A_228, %sort3A_229 = tpu.sort %get3A_37, %get3A_37 masked %sort3A_226 : (vector<16xf32>, vector<16xf32>, vector<16xi1>) -> (vector<16xi1>, vector<16xf32>, vector<16xf32>)
          %rev3A = arith.constant 15 : i32
          %rev3A_230 = vector.broadcast %rev3A : i32 to vector<16xi32>
          %rev3A_231 = tpu.iota {dimensions = array<i32: 0>} : vector<16xi32>
          %rev3A_232 = arith.subi %rev3A_230, %rev3A_231 : vector<16xi32>
          %rev3A_233 = tpu.dynamic_gather %sort3A_228[%rev3A_232] in [0] : vector<16xf32>, vector<16xi32> -> vector<16xf32>
          %max3A_234 = arith.maximumf %scan3A_29, %rev3A_233 : vector<16xf32>
          %sort3A_235 = arith.constant dense<true> : vector<16xi1>
          %sort3A_236, %sort3A_237, %sort3A_238 = tpu.sort %max3A_234, %max3A_234 masked %sort3A_235 : (vector<16xf32>, vector<16xf32>, vector<16xi1>) -> (vector<16xi1>, vector<16xf32>, vector<16xf32>)
          %lt3A_239 = arith.constant 0 : i32
          %lt3A_240 = vector.broadcast %lt3A_239 : i32 to vector<16xi32>
          %lt3A_241 = arith.cmpi slt, %broadcast_in_dim3A_3, %lt3A_240 : vector<16xi32>
          %add3A_242 = arith.constant 16 : i32
          %add3A_243 = vector.broadcast %add3A_242 : i32 to vector<16xi32>
          %add3A_244 = arith.addi %broadcast_in_dim3A_3, %add3A_243 : vector<16xi32>
          %select_n3A_245 = arith.select %lt3A_241, %add3A_244, %broadcast_in_dim3A_3 : vector<16xi1>, vector<16xi32>
          %broadcast_in_dim3A_246 = vector.shape_cast %select_n3A_245 : vector<16xi32> to vector<16x1xi32>
          %gather3A_247 = vector.shape_cast %broadcast_in_dim3A_246 : vector<16x1xi32> to vector<16xi32>
          %gather3A_248 = tpu.dynamic_gather %sort3A_237[%gather3A_247] in [0] : vector<16xf32>, vector<16xi32> -> vector<16xf32>
          scf.yield %sort3A_237, %gather3A_248 : vector<16xf32>, vector<16xf32>
        } else {
          scf.yield %scan3A_29, %scan3A_30 : vector<16xf32>, vector<16xf32>
        }
        %gt3A_114 = arith.cmpf ogt, %get3A_43, %cond3A_113#1 : vector<16xf32>
        %reduce_or3A_115 = arith.constant 1.000000e+00 : f32
        %reduce_or3A_116 = arith.constant 0.000000e+00 : f32
        %reduce_or3A_117 = vector.broadcast %reduce_or3A_115 : f32 to vector<16xf32>
        %reduce_or3A_118 = vector.broadcast %reduce_or3A_116 : f32 to vector<16xf32>
        %reduce_or3A_119 = arith.select %gt3A_114, %reduce_or3A_117, %reduce_or3A_118 : vector<16xi1>, vector<16xf32>
        %reduce_or3A_120 = arith.constant true
        %reduce_or3A_121 = vector.broadcast %reduce_or3A_120 : i1 to vector<16xi1>
        %reduce_or3A_122 = tpu.scan <max>, %reduce_or3A_119 masked %reduce_or3A_121 : vector<16xf32>, vector<16xi1> -> vector<16xf32>
        %reduce_or3A_123 = vector.extract %reduce_or3A_122[15] : f32 from vector<16xf32>
        %reduce_or3A_124 = arith.constant 0.000000e+00 : f32
        %reduce_or3A_125 = arith.cmpf ogt, %reduce_or3A_123, %reduce_or3A_124 : f32
        %convert_element_type3A_126 = arith.extui %reduce_or3A_125 : i1 to i32
        %cond3A_127 = arith.constant 0 : i32
        %cond3A_128 = arith.cmpi ne, %convert_element_type3A_126, %cond3A_127 : i32
        %cond3A_129:2 = scf.if %cond3A_128 -> (vector<16xf32>, vector<16xf32>) {
          %sort3A_226 = arith.constant dense<true> : vector<16xi1>
          %sort3A_227, %sort3A_228, %sort3A_229 = tpu.sort %get3A_43, %get3A_43 masked %sort3A_226 : (vector<16xf32>, vector<16xf32>, vector<16xi1>) -> (vector<16xi1>, vector<16xf32>, vector<16xf32>)
          %rev3A = arith.constant 15 : i32
          %rev3A_230 = vector.broadcast %rev3A : i32 to vector<16xi32>
          %rev3A_231 = tpu.iota {dimensions = array<i32: 0>} : vector<16xi32>
          %rev3A_232 = arith.subi %rev3A_230, %rev3A_231 : vector<16xi32>
          %rev3A_233 = tpu.dynamic_gather %sort3A_228[%rev3A_232] in [0] : vector<16xf32>, vector<16xi32> -> vector<16xf32>
          %max3A_234 = arith.maximumf %cond3A_113#0, %rev3A_233 : vector<16xf32>
          %sort3A_235 = arith.constant dense<true> : vector<16xi1>
          %sort3A_236, %sort3A_237, %sort3A_238 = tpu.sort %max3A_234, %max3A_234 masked %sort3A_235 : (vector<16xf32>, vector<16xf32>, vector<16xi1>) -> (vector<16xi1>, vector<16xf32>, vector<16xf32>)
          %lt3A_239 = arith.constant 0 : i32
          %lt3A_240 = vector.broadcast %lt3A_239 : i32 to vector<16xi32>
          %lt3A_241 = arith.cmpi slt, %broadcast_in_dim3A_3, %lt3A_240 : vector<16xi32>
          %add3A_242 = arith.constant 16 : i32
          %add3A_243 = vector.broadcast %add3A_242 : i32 to vector<16xi32>
          %add3A_244 = arith.addi %broadcast_in_dim3A_3, %add3A_243 : vector<16xi32>
          %select_n3A_245 = arith.select %lt3A_241, %add3A_244, %broadcast_in_dim3A_3 : vector<16xi1>, vector<16xi32>
          %broadcast_in_dim3A_246 = vector.shape_cast %select_n3A_245 : vector<16xi32> to vector<16x1xi32>
          %gather3A_247 = vector.shape_cast %broadcast_in_dim3A_246 : vector<16x1xi32> to vector<16xi32>
          %gather3A_248 = tpu.dynamic_gather %sort3A_237[%gather3A_247] in [0] : vector<16xf32>, vector<16xi32> -> vector<16xf32>
          scf.yield %sort3A_237, %gather3A_248 : vector<16xf32>, vector<16xf32>
        } else {
          scf.yield %cond3A_113#0, %cond3A_113#1 : vector<16xf32>, vector<16xf32>
        }
        %gt3A_130 = arith.cmpf ogt, %get3A_49, %cond3A_129#1 : vector<16xf32>
        %reduce_or3A_131 = arith.constant 1.000000e+00 : f32
        %reduce_or3A_132 = arith.constant 0.000000e+00 : f32
        %reduce_or3A_133 = vector.broadcast %reduce_or3A_131 : f32 to vector<16xf32>
        %reduce_or3A_134 = vector.broadcast %reduce_or3A_132 : f32 to vector<16xf32>
        %reduce_or3A_135 = arith.select %gt3A_130, %reduce_or3A_133, %reduce_or3A_134 : vector<16xi1>, vector<16xf32>
        %reduce_or3A_136 = arith.constant true
        %reduce_or3A_137 = vector.broadcast %reduce_or3A_136 : i1 to vector<16xi1>
        %reduce_or3A_138 = tpu.scan <max>, %reduce_or3A_135 masked %reduce_or3A_137 : vector<16xf32>, vector<16xi1> -> vector<16xf32>
        %reduce_or3A_139 = vector.extract %reduce_or3A_138[15] : f32 from vector<16xf32>
        %reduce_or3A_140 = arith.constant 0.000000e+00 : f32
        %reduce_or3A_141 = arith.cmpf ogt, %reduce_or3A_139, %reduce_or3A_140 : f32
        %convert_element_type3A_142 = arith.extui %reduce_or3A_141 : i1 to i32
        %cond3A_143 = arith.constant 0 : i32
        %cond3A_144 = arith.cmpi ne, %convert_element_type3A_142, %cond3A_143 : i32
        %cond3A_145:2 = scf.if %cond3A_144 -> (vector<16xf32>, vector<16xf32>) {
          %sort3A_226 = arith.constant dense<true> : vector<16xi1>
          %sort3A_227, %sort3A_228, %sort3A_229 = tpu.sort %get3A_49, %get3A_49 masked %sort3A_226 : (vector<16xf32>, vector<16xf32>, vector<16xi1>) -> (vector<16xi1>, vector<16xf32>, vector<16xf32>)
          %rev3A = arith.constant 15 : i32
          %rev3A_230 = vector.broadcast %rev3A : i32 to vector<16xi32>
          %rev3A_231 = tpu.iota {dimensions = array<i32: 0>} : vector<16xi32>
          %rev3A_232 = arith.subi %rev3A_230, %rev3A_231 : vector<16xi32>
          %rev3A_233 = tpu.dynamic_gather %sort3A_228[%rev3A_232] in [0] : vector<16xf32>, vector<16xi32> -> vector<16xf32>
          %max3A_234 = arith.maximumf %cond3A_129#0, %rev3A_233 : vector<16xf32>
          %sort3A_235 = arith.constant dense<true> : vector<16xi1>
          %sort3A_236, %sort3A_237, %sort3A_238 = tpu.sort %max3A_234, %max3A_234 masked %sort3A_235 : (vector<16xf32>, vector<16xf32>, vector<16xi1>) -> (vector<16xi1>, vector<16xf32>, vector<16xf32>)
          %lt3A_239 = arith.constant 0 : i32
          %lt3A_240 = vector.broadcast %lt3A_239 : i32 to vector<16xi32>
          %lt3A_241 = arith.cmpi slt, %broadcast_in_dim3A_3, %lt3A_240 : vector<16xi32>
          %add3A_242 = arith.constant 16 : i32
          %add3A_243 = vector.broadcast %add3A_242 : i32 to vector<16xi32>
          %add3A_244 = arith.addi %broadcast_in_dim3A_3, %add3A_243 : vector<16xi32>
          %select_n3A_245 = arith.select %lt3A_241, %add3A_244, %broadcast_in_dim3A_3 : vector<16xi1>, vector<16xi32>
          %broadcast_in_dim3A_246 = vector.shape_cast %select_n3A_245 : vector<16xi32> to vector<16x1xi32>
          %gather3A_247 = vector.shape_cast %broadcast_in_dim3A_246 : vector<16x1xi32> to vector<16xi32>
          %gather3A_248 = tpu.dynamic_gather %sort3A_237[%gather3A_247] in [0] : vector<16xf32>, vector<16xi32> -> vector<16xf32>
          scf.yield %sort3A_237, %gather3A_248 : vector<16xf32>, vector<16xf32>
        } else {
          scf.yield %cond3A_129#0, %cond3A_129#1 : vector<16xf32>, vector<16xf32>
        }
        %gt3A_146 = arith.cmpf ogt, %get3A_55, %cond3A_145#1 : vector<16xf32>
        %reduce_or3A_147 = arith.constant 1.000000e+00 : f32
        %reduce_or3A_148 = arith.constant 0.000000e+00 : f32
        %reduce_or3A_149 = vector.broadcast %reduce_or3A_147 : f32 to vector<16xf32>
        %reduce_or3A_150 = vector.broadcast %reduce_or3A_148 : f32 to vector<16xf32>
        %reduce_or3A_151 = arith.select %gt3A_146, %reduce_or3A_149, %reduce_or3A_150 : vector<16xi1>, vector<16xf32>
        %reduce_or3A_152 = arith.constant true
        %reduce_or3A_153 = vector.broadcast %reduce_or3A_152 : i1 to vector<16xi1>
        %reduce_or3A_154 = tpu.scan <max>, %reduce_or3A_151 masked %reduce_or3A_153 : vector<16xf32>, vector<16xi1> -> vector<16xf32>
        %reduce_or3A_155 = vector.extract %reduce_or3A_154[15] : f32 from vector<16xf32>
        %reduce_or3A_156 = arith.constant 0.000000e+00 : f32
        %reduce_or3A_157 = arith.cmpf ogt, %reduce_or3A_155, %reduce_or3A_156 : f32
        %convert_element_type3A_158 = arith.extui %reduce_or3A_157 : i1 to i32
        %cond3A_159 = arith.constant 0 : i32
        %cond3A_160 = arith.cmpi ne, %convert_element_type3A_158, %cond3A_159 : i32
        %cond3A_161:2 = scf.if %cond3A_160 -> (vector<16xf32>, vector<16xf32>) {
          %sort3A_226 = arith.constant dense<true> : vector<16xi1>
          %sort3A_227, %sort3A_228, %sort3A_229 = tpu.sort %get3A_55, %get3A_55 masked %sort3A_226 : (vector<16xf32>, vector<16xf32>, vector<16xi1>) -> (vector<16xi1>, vector<16xf32>, vector<16xf32>)
          %rev3A = arith.constant 15 : i32
          %rev3A_230 = vector.broadcast %rev3A : i32 to vector<16xi32>
          %rev3A_231 = tpu.iota {dimensions = array<i32: 0>} : vector<16xi32>
          %rev3A_232 = arith.subi %rev3A_230, %rev3A_231 : vector<16xi32>
          %rev3A_233 = tpu.dynamic_gather %sort3A_228[%rev3A_232] in [0] : vector<16xf32>, vector<16xi32> -> vector<16xf32>
          %max3A_234 = arith.maximumf %cond3A_145#0, %rev3A_233 : vector<16xf32>
          %sort3A_235 = arith.constant dense<true> : vector<16xi1>
          %sort3A_236, %sort3A_237, %sort3A_238 = tpu.sort %max3A_234, %max3A_234 masked %sort3A_235 : (vector<16xf32>, vector<16xf32>, vector<16xi1>) -> (vector<16xi1>, vector<16xf32>, vector<16xf32>)
          %lt3A_239 = arith.constant 0 : i32
          %lt3A_240 = vector.broadcast %lt3A_239 : i32 to vector<16xi32>
          %lt3A_241 = arith.cmpi slt, %broadcast_in_dim3A_3, %lt3A_240 : vector<16xi32>
          %add3A_242 = arith.constant 16 : i32
          %add3A_243 = vector.broadcast %add3A_242 : i32 to vector<16xi32>
          %add3A_244 = arith.addi %broadcast_in_dim3A_3, %add3A_243 : vector<16xi32>
          %select_n3A_245 = arith.select %lt3A_241, %add3A_244, %broadcast_in_dim3A_3 : vector<16xi1>, vector<16xi32>
          %broadcast_in_dim3A_246 = vector.shape_cast %select_n3A_245 : vector<16xi32> to vector<16x1xi32>
          %gather3A_247 = vector.shape_cast %broadcast_in_dim3A_246 : vector<16x1xi32> to vector<16xi32>
          %gather3A_248 = tpu.dynamic_gather %sort3A_237[%gather3A_247] in [0] : vector<16xf32>, vector<16xi32> -> vector<16xf32>
          scf.yield %sort3A_237, %gather3A_248 : vector<16xf32>, vector<16xf32>
        } else {
          scf.yield %cond3A_145#0, %cond3A_145#1 : vector<16xf32>, vector<16xf32>
        }
        %gt3A_162 = arith.cmpf ogt, %get3A_61, %cond3A_161#1 : vector<16xf32>
        %reduce_or3A_163 = arith.constant 1.000000e+00 : f32
        %reduce_or3A_164 = arith.constant 0.000000e+00 : f32
        %reduce_or3A_165 = vector.broadcast %reduce_or3A_163 : f32 to vector<16xf32>
        %reduce_or3A_166 = vector.broadcast %reduce_or3A_164 : f32 to vector<16xf32>
        %reduce_or3A_167 = arith.select %gt3A_162, %reduce_or3A_165, %reduce_or3A_166 : vector<16xi1>, vector<16xf32>
        %reduce_or3A_168 = arith.constant true
        %reduce_or3A_169 = vector.broadcast %reduce_or3A_168 : i1 to vector<16xi1>
        %reduce_or3A_170 = tpu.scan <max>, %reduce_or3A_167 masked %reduce_or3A_169 : vector<16xf32>, vector<16xi1> -> vector<16xf32>
        %reduce_or3A_171 = vector.extract %reduce_or3A_170[15] : f32 from vector<16xf32>
        %reduce_or3A_172 = arith.constant 0.000000e+00 : f32
        %reduce_or3A_173 = arith.cmpf ogt, %reduce_or3A_171, %reduce_or3A_172 : f32
        %convert_element_type3A_174 = arith.extui %reduce_or3A_173 : i1 to i32
        %cond3A_175 = arith.constant 0 : i32
        %cond3A_176 = arith.cmpi ne, %convert_element_type3A_174, %cond3A_175 : i32
        %cond3A_177:2 = scf.if %cond3A_176 -> (vector<16xf32>, vector<16xf32>) {
          %sort3A_226 = arith.constant dense<true> : vector<16xi1>
          %sort3A_227, %sort3A_228, %sort3A_229 = tpu.sort %get3A_61, %get3A_61 masked %sort3A_226 : (vector<16xf32>, vector<16xf32>, vector<16xi1>) -> (vector<16xi1>, vector<16xf32>, vector<16xf32>)
          %rev3A = arith.constant 15 : i32
          %rev3A_230 = vector.broadcast %rev3A : i32 to vector<16xi32>
          %rev3A_231 = tpu.iota {dimensions = array<i32: 0>} : vector<16xi32>
          %rev3A_232 = arith.subi %rev3A_230, %rev3A_231 : vector<16xi32>
          %rev3A_233 = tpu.dynamic_gather %sort3A_228[%rev3A_232] in [0] : vector<16xf32>, vector<16xi32> -> vector<16xf32>
          %max3A_234 = arith.maximumf %cond3A_161#0, %rev3A_233 : vector<16xf32>
          %sort3A_235 = arith.constant dense<true> : vector<16xi1>
          %sort3A_236, %sort3A_237, %sort3A_238 = tpu.sort %max3A_234, %max3A_234 masked %sort3A_235 : (vector<16xf32>, vector<16xf32>, vector<16xi1>) -> (vector<16xi1>, vector<16xf32>, vector<16xf32>)
          %lt3A_239 = arith.constant 0 : i32
          %lt3A_240 = vector.broadcast %lt3A_239 : i32 to vector<16xi32>
          %lt3A_241 = arith.cmpi slt, %broadcast_in_dim3A_3, %lt3A_240 : vector<16xi32>
          %add3A_242 = arith.constant 16 : i32
          %add3A_243 = vector.broadcast %add3A_242 : i32 to vector<16xi32>
          %add3A_244 = arith.addi %broadcast_in_dim3A_3, %add3A_243 : vector<16xi32>
          %select_n3A_245 = arith.select %lt3A_241, %add3A_244, %broadcast_in_dim3A_3 : vector<16xi1>, vector<16xi32>
          %broadcast_in_dim3A_246 = vector.shape_cast %select_n3A_245 : vector<16xi32> to vector<16x1xi32>
          %gather3A_247 = vector.shape_cast %broadcast_in_dim3A_246 : vector<16x1xi32> to vector<16xi32>
          %gather3A_248 = tpu.dynamic_gather %sort3A_237[%gather3A_247] in [0] : vector<16xf32>, vector<16xi32> -> vector<16xf32>
          scf.yield %sort3A_237, %gather3A_248 : vector<16xf32>, vector<16xf32>
        } else {
          scf.yield %cond3A_161#0, %cond3A_161#1 : vector<16xf32>, vector<16xf32>
        }
        %gt3A_178 = arith.cmpf ogt, %get3A_67, %cond3A_177#1 : vector<16xf32>
        %reduce_or3A_179 = arith.constant 1.000000e+00 : f32
        %reduce_or3A_180 = arith.constant 0.000000e+00 : f32
        %reduce_or3A_181 = vector.broadcast %reduce_or3A_179 : f32 to vector<16xf32>
        %reduce_or3A_182 = vector.broadcast %reduce_or3A_180 : f32 to vector<16xf32>
        %reduce_or3A_183 = arith.select %gt3A_178, %reduce_or3A_181, %reduce_or3A_182 : vector<16xi1>, vector<16xf32>
        %reduce_or3A_184 = arith.constant true
        %reduce_or3A_185 = vector.broadcast %reduce_or3A_184 : i1 to vector<16xi1>
        %reduce_or3A_186 = tpu.scan <max>, %reduce_or3A_183 masked %reduce_or3A_185 : vector<16xf32>, vector<16xi1> -> vector<16xf32>
        %reduce_or3A_187 = vector.extract %reduce_or3A_186[15] : f32 from vector<16xf32>
        %reduce_or3A_188 = arith.constant 0.000000e+00 : f32
        %reduce_or3A_189 = arith.cmpf ogt, %reduce_or3A_187, %reduce_or3A_188 : f32
        %convert_element_type3A_190 = arith.extui %reduce_or3A_189 : i1 to i32
        %cond3A_191 = arith.constant 0 : i32
        %cond3A_192 = arith.cmpi ne, %convert_element_type3A_190, %cond3A_191 : i32
        %cond3A_193:2 = scf.if %cond3A_192 -> (vector<16xf32>, vector<16xf32>) {
          %sort3A_226 = arith.constant dense<true> : vector<16xi1>
          %sort3A_227, %sort3A_228, %sort3A_229 = tpu.sort %get3A_67, %get3A_67 masked %sort3A_226 : (vector<16xf32>, vector<16xf32>, vector<16xi1>) -> (vector<16xi1>, vector<16xf32>, vector<16xf32>)
          %rev3A = arith.constant 15 : i32
          %rev3A_230 = vector.broadcast %rev3A : i32 to vector<16xi32>
          %rev3A_231 = tpu.iota {dimensions = array<i32: 0>} : vector<16xi32>
          %rev3A_232 = arith.subi %rev3A_230, %rev3A_231 : vector<16xi32>
          %rev3A_233 = tpu.dynamic_gather %sort3A_228[%rev3A_232] in [0] : vector<16xf32>, vector<16xi32> -> vector<16xf32>
          %max3A_234 = arith.maximumf %cond3A_177#0, %rev3A_233 : vector<16xf32>
          %sort3A_235 = arith.constant dense<true> : vector<16xi1>
          %sort3A_236, %sort3A_237, %sort3A_238 = tpu.sort %max3A_234, %max3A_234 masked %sort3A_235 : (vector<16xf32>, vector<16xf32>, vector<16xi1>) -> (vector<16xi1>, vector<16xf32>, vector<16xf32>)
          %lt3A_239 = arith.constant 0 : i32
          %lt3A_240 = vector.broadcast %lt3A_239 : i32 to vector<16xi32>
          %lt3A_241 = arith.cmpi slt, %broadcast_in_dim3A_3, %lt3A_240 : vector<16xi32>
          %add3A_242 = arith.constant 16 : i32
          %add3A_243 = vector.broadcast %add3A_242 : i32 to vector<16xi32>
          %add3A_244 = arith.addi %broadcast_in_dim3A_3, %add3A_243 : vector<16xi32>
          %select_n3A_245 = arith.select %lt3A_241, %add3A_244, %broadcast_in_dim3A_3 : vector<16xi1>, vector<16xi32>
          %broadcast_in_dim3A_246 = vector.shape_cast %select_n3A_245 : vector<16xi32> to vector<16x1xi32>
          %gather3A_247 = vector.shape_cast %broadcast_in_dim3A_246 : vector<16x1xi32> to vector<16xi32>
          %gather3A_248 = tpu.dynamic_gather %sort3A_237[%gather3A_247] in [0] : vector<16xf32>, vector<16xi32> -> vector<16xf32>
          scf.yield %sort3A_237, %gather3A_248 : vector<16xf32>, vector<16xf32>
        } else {
          scf.yield %cond3A_177#0, %cond3A_177#1 : vector<16xf32>, vector<16xf32>
        }
        %gt3A_194 = arith.cmpf ogt, %get3A_73, %cond3A_193#1 : vector<16xf32>
        %reduce_or3A_195 = arith.constant 1.000000e+00 : f32
        %reduce_or3A_196 = arith.constant 0.000000e+00 : f32
        %reduce_or3A_197 = vector.broadcast %reduce_or3A_195 : f32 to vector<16xf32>
        %reduce_or3A_198 = vector.broadcast %reduce_or3A_196 : f32 to vector<16xf32>
        %reduce_or3A_199 = arith.select %gt3A_194, %reduce_or3A_197, %reduce_or3A_198 : vector<16xi1>, vector<16xf32>
        %reduce_or3A_200 = arith.constant true
        %reduce_or3A_201 = vector.broadcast %reduce_or3A_200 : i1 to vector<16xi1>
        %reduce_or3A_202 = tpu.scan <max>, %reduce_or3A_199 masked %reduce_or3A_201 : vector<16xf32>, vector<16xi1> -> vector<16xf32>
        %reduce_or3A_203 = vector.extract %reduce_or3A_202[15] : f32 from vector<16xf32>
        %reduce_or3A_204 = arith.constant 0.000000e+00 : f32
        %reduce_or3A_205 = arith.cmpf ogt, %reduce_or3A_203, %reduce_or3A_204 : f32
        %convert_element_type3A_206 = arith.extui %reduce_or3A_205 : i1 to i32
        %cond3A_207 = arith.constant 0 : i32
        %cond3A_208 = arith.cmpi ne, %convert_element_type3A_206, %cond3A_207 : i32
        %cond3A_209:2 = scf.if %cond3A_208 -> (vector<16xf32>, vector<16xf32>) {
          %sort3A_226 = arith.constant dense<true> : vector<16xi1>
          %sort3A_227, %sort3A_228, %sort3A_229 = tpu.sort %get3A_73, %get3A_73 masked %sort3A_226 : (vector<16xf32>, vector<16xf32>, vector<16xi1>) -> (vector<16xi1>, vector<16xf32>, vector<16xf32>)
          %rev3A = arith.constant 15 : i32
          %rev3A_230 = vector.broadcast %rev3A : i32 to vector<16xi32>
          %rev3A_231 = tpu.iota {dimensions = array<i32: 0>} : vector<16xi32>
          %rev3A_232 = arith.subi %rev3A_230, %rev3A_231 : vector<16xi32>
          %rev3A_233 = tpu.dynamic_gather %sort3A_228[%rev3A_232] in [0] : vector<16xf32>, vector<16xi32> -> vector<16xf32>
          %max3A_234 = arith.maximumf %cond3A_193#0, %rev3A_233 : vector<16xf32>
          %sort3A_235 = arith.constant dense<true> : vector<16xi1>
          %sort3A_236, %sort3A_237, %sort3A_238 = tpu.sort %max3A_234, %max3A_234 masked %sort3A_235 : (vector<16xf32>, vector<16xf32>, vector<16xi1>) -> (vector<16xi1>, vector<16xf32>, vector<16xf32>)
          %lt3A_239 = arith.constant 0 : i32
          %lt3A_240 = vector.broadcast %lt3A_239 : i32 to vector<16xi32>
          %lt3A_241 = arith.cmpi slt, %broadcast_in_dim3A_3, %lt3A_240 : vector<16xi32>
          %add3A_242 = arith.constant 16 : i32
          %add3A_243 = vector.broadcast %add3A_242 : i32 to vector<16xi32>
          %add3A_244 = arith.addi %broadcast_in_dim3A_3, %add3A_243 : vector<16xi32>
          %select_n3A_245 = arith.select %lt3A_241, %add3A_244, %broadcast_in_dim3A_3 : vector<16xi1>, vector<16xi32>
          %broadcast_in_dim3A_246 = vector.shape_cast %select_n3A_245 : vector<16xi32> to vector<16x1xi32>
          %gather3A_247 = vector.shape_cast %broadcast_in_dim3A_246 : vector<16x1xi32> to vector<16xi32>
          %gather3A_248 = tpu.dynamic_gather %sort3A_237[%gather3A_247] in [0] : vector<16xf32>, vector<16xi32> -> vector<16xf32>
          scf.yield %sort3A_237, %gather3A_248 : vector<16xf32>, vector<16xf32>
        } else {
          scf.yield %cond3A_193#0, %cond3A_193#1 : vector<16xf32>, vector<16xf32>
        }
        %gt3A_210 = arith.cmpf ogt, %get3A_79, %cond3A_209#1 : vector<16xf32>
        %reduce_or3A_211 = arith.constant 1.000000e+00 : f32
        %reduce_or3A_212 = arith.constant 0.000000e+00 : f32
        %reduce_or3A_213 = vector.broadcast %reduce_or3A_211 : f32 to vector<16xf32>
        %reduce_or3A_214 = vector.broadcast %reduce_or3A_212 : f32 to vector<16xf32>
        %reduce_or3A_215 = arith.select %gt3A_210, %reduce_or3A_213, %reduce_or3A_214 : vector<16xi1>, vector<16xf32>
        %reduce_or3A_216 = arith.constant true
        %reduce_or3A_217 = vector.broadcast %reduce_or3A_216 : i1 to vector<16xi1>
        %reduce_or3A_218 = tpu.scan <max>, %reduce_or3A_215 masked %reduce_or3A_217 : vector<16xf32>, vector<16xi1> -> vector<16xf32>
        %reduce_or3A_219 = vector.extract %reduce_or3A_218[15] : f32 from vector<16xf32>
        %reduce_or3A_220 = arith.constant 0.000000e+00 : f32
        %reduce_or3A_221 = arith.cmpf ogt, %reduce_or3A_219, %reduce_or3A_220 : f32
        %convert_element_type3A_222 = arith.extui %reduce_or3A_221 : i1 to i32
        %cond3A_223 = arith.constant 0 : i32
        %cond3A_224 = arith.cmpi ne, %convert_element_type3A_222, %cond3A_223 : i32
        %cond3A_225:2 = scf.if %cond3A_224 -> (vector<16xf32>, vector<16xf32>) {
          %sort3A_226 = arith.constant dense<true> : vector<16xi1>
          %sort3A_227, %sort3A_228, %sort3A_229 = tpu.sort %get3A_79, %get3A_79 masked %sort3A_226 : (vector<16xf32>, vector<16xf32>, vector<16xi1>) -> (vector<16xi1>, vector<16xf32>, vector<16xf32>)
          %rev3A = arith.constant 15 : i32
          %rev3A_230 = vector.broadcast %rev3A : i32 to vector<16xi32>
          %rev3A_231 = tpu.iota {dimensions = array<i32: 0>} : vector<16xi32>
          %rev3A_232 = arith.subi %rev3A_230, %rev3A_231 : vector<16xi32>
          %rev3A_233 = tpu.dynamic_gather %sort3A_228[%rev3A_232] in [0] : vector<16xf32>, vector<16xi32> -> vector<16xf32>
          %max3A_234 = arith.maximumf %cond3A_209#0, %rev3A_233 : vector<16xf32>
          %sort3A_235 = arith.constant dense<true> : vector<16xi1>
          %sort3A_236, %sort3A_237, %sort3A_238 = tpu.sort %max3A_234, %max3A_234 masked %sort3A_235 : (vector<16xf32>, vector<16xf32>, vector<16xi1>) -> (vector<16xi1>, vector<16xf32>, vector<16xf32>)
          %lt3A_239 = arith.constant 0 : i32
          %lt3A_240 = vector.broadcast %lt3A_239 : i32 to vector<16xi32>
          %lt3A_241 = arith.cmpi slt, %broadcast_in_dim3A_3, %lt3A_240 : vector<16xi32>
          %add3A_242 = arith.constant 16 : i32
          %add3A_243 = vector.broadcast %add3A_242 : i32 to vector<16xi32>
          %add3A_244 = arith.addi %broadcast_in_dim3A_3, %add3A_243 : vector<16xi32>
          %select_n3A_245 = arith.select %lt3A_241, %add3A_244, %broadcast_in_dim3A_3 : vector<16xi1>, vector<16xi32>
          %broadcast_in_dim3A_246 = vector.shape_cast %select_n3A_245 : vector<16xi32> to vector<16x1xi32>
          %gather3A_247 = vector.shape_cast %broadcast_in_dim3A_246 : vector<16x1xi32> to vector<16xi32>
          %gather3A_248 = tpu.dynamic_gather %sort3A_237[%gather3A_247] in [0] : vector<16xf32>, vector<16xi32> -> vector<16xf32>
          scf.yield %sort3A_237, %gather3A_248 : vector<16xf32>, vector<16xf32>
        } else {
          scf.yield %cond3A_209#0, %cond3A_209#1 : vector<16xf32>, vector<16xf32>
        }
        scf.yield %cond3A_225#0, %cond3A_225#1 : vector<16xf32>, vector<16xf32>
      } else {
        scf.yield %scan3A_29, %scan3A_30 : vector<16xf32>, vector<16xf32>
      }
      scf.yield %cond3A_97#0, %cond3A_97#1 : vector<16xf32>, vector<16xf32>
    }
    %scan3A_26 = arith.constant 108 : i32
    %swap3A = arith.constant 0 : index
    %swap3A_27 = tpu.vector_load %arg5[%swap3A] {strides = array<i32>} : memref<16xf32, #tpu.memory_space<vmem>>, vector<16xf32>,
    tpu.vector_store %arg5[%swap3A], %scan3A_25#0 {strides = array<i32>} : memref<16xf32, #tpu.memory_space<vmem>>, vector<16xf32>,
    "tpu.region"() ({
      %run_scoped3A = tpu.sem_alloc : memref<!tpu.dma_semaphore, #tpu.memory_space<semaphore_mem>>
      %dma_start3A = arith.constant 0 : i32
      %dma_start3A_28 = tpu.memref_slice %arg3[%add3A, %dma_start3A] : memref<32x16xf32, #tpu.memory_space<hbm>> -> memref<1x16xf32, #tpu.memory_space<hbm>>
      %dma_start3A_29 = tpu.memref_squeeze %dma_start3A_28 : memref<1x16xf32, #tpu.memory_space<hbm>> -> memref<16xf32, #tpu.memory_space<hbm>>
      %dma_start3A_30 = arith.constant 0 : i32
      %dma_start3A_31 = tpu.memref_slice %arg3[%add3A, %dma_start3A_30] : memref<32x16xf32, #tpu.memory_space<hbm>> -> memref<1x16xf32, #tpu.memory_space<hbm>>
      %dma_start3A_32 = tpu.memref_squeeze %dma_start3A_31 : memref<1x16xf32, #tpu.memory_space<hbm>> -> memref<16xf32, #tpu.memory_space<hbm>>
      tpu.enqueue_dma source(%arg5 : memref<16xf32, #tpu.memory_space<vmem>>) target(%dma_start3A_32 : memref<16xf32, #tpu.memory_space<hbm>>) target_semaphore(%run_scoped3A : memref<!tpu.dma_semaphore, #tpu.memory_space<semaphore_mem>>)
      %dma_wait3A = arith.constant 0 : i32
      %dma_wait3A_33 = tpu.memref_slice %arg3[%add3A, %dma_wait3A] : memref<32x16xf32, #tpu.memory_space<hbm>> -> memref<1x16xf32, #tpu.memory_space<hbm>>
      %dma_wait3A_34 = tpu.memref_squeeze %dma_wait3A_33 : memref<1x16xf32, #tpu.memory_space<hbm>> -> memref<16xf32, #tpu.memory_space<hbm>>
      %dma_wait3A_35 = arith.constant 0 : i32
      %dma_wait3A_36 = tpu.memref_slice %arg3[%add3A, %dma_wait3A_35] : memref<32x16xf32, #tpu.memory_space<hbm>> -> memref<1x16xf32, #tpu.memory_space<hbm>>
      %dma_wait3A_37 = tpu.memref_squeeze %dma_wait3A_36 : memref<1x16xf32, #tpu.memory_space<hbm>> -> memref<16xf32, #tpu.memory_space<hbm>>
      tpu.wait_dma2 semaphore(%run_scoped3A : memref<!tpu.dma_semaphore, #tpu.memory_space<semaphore_mem>>) src(%arg5 : memref<16xf32, #tpu.memory_space<vmem>>) dst(%dma_wait3A_37 : memref<16xf32, #tpu.memory_space<hbm>>)
      tpu.yield
    }) : () -> ()
    return
  }
}

module attributes {stable_mosaic.version = 14 : i64} {
  func.func @body(%arg0: i32, %arg1: memref<48x120x24xf32, #tpu.memory_space<vmem>>, %arg2: memref<48x120x24xf32, #tpu.memory_space<vmem>>, %arg3: memref<6144x96xf32, #tpu.memory_space<vmem>>, %arg4: memref<6144x96xf32, #tpu.memory_space<vmem>>, %arg5: memref<16x128xf32, #tpu.memory_space<vmem>>, %arg6: memref<1152x128xf32, #tpu.memory_space<vmem>>) attributes {dimension_semantics = [#tpu.dimension_semantics<arbitrary>], iteration_bounds = array<i64: 12>, scalar_prefetch = 0 : i64, scratch_operands = 0 : i64, tpu.core_type = #tpu.core_type<tc>, window_params = [{transform_indices = @transform_0, window_bounds = array<i64: 48, 120, 24>}, {transform_indices = @transform_1, window_bounds = array<i64: 48, 120, 24>}, {transform_indices = @transform_2, window_bounds = array<i64: 6144, 96>}, {transform_indices = @transform_3, window_bounds = array<i64: 6144, 96>}, {pipeline_mode = #tpu.pipeline_mode<synchronous>, transform_indices = @transform_4, window_bounds = array<i64: 16, 128>}, {transform_indices = @transform_5, window_bounds = array<i64: 1152, 128>}]} {
    %eq3A = arith.constant 0 : i32
    %eq3A_0 = arith.cmpi eq, %arg0, %eq3A : i32
    %convert_element_type3A = arith.extui %eq3A_0 : i1 to i32
    %cond3A = arith.constant 0 : i32
    %cond3A_1 = arith.cmpi ne, %convert_element_type3A, %cond3A : i32
    scf.if %cond3A_1 {
      %broadcast_in_dim3A_227 = arith.constant 0.000000e+00 : f32
      %broadcast_in_dim3A_228 = vector.broadcast %broadcast_in_dim3A_227 : f32 to vector<16x128xf32>
      %swap3A_229 = arith.constant 0 : index
      %swap3A_230 = arith.constant 0 : index
      %swap3A_231 = vector.load %arg5[%swap3A_229, %swap3A_230] : memref<16x128xf32, #tpu.memory_space<vmem>>, vector<16x128xf32>
      tpu.vector_store %arg5[%swap3A_229, %swap3A_230], %broadcast_in_dim3A_228 {strides = array<i32>} : memref<16x128xf32, #tpu.memory_space<vmem>>, vector<16x128xf32>,
    } else {
    }
    %get3A = arith.constant 0 : index
    %get3A_2 = arith.constant 0 : index
    %get3A_3 = arith.constant 0 : index
    %get3A_4 = vector.load %arg1[%get3A, %get3A_2, %get3A_3] : memref<48x120x24xf32, #tpu.memory_space<vmem>>, vector<48x24x24xf32>
    %get3A_5 = arith.constant 0 : index
    %get3A_6 = arith.constant 0 : index
    %get3A_7 = arith.constant 0 : index
    %get3A_8 = vector.load %arg2[%get3A_5, %get3A_6, %get3A_7] : memref<48x120x24xf32, #tpu.memory_space<vmem>>, vector<48x24x24xf32>
    %gt3A = arith.constant 5.000000e-01 : f32
    %gt3A_9 = vector.broadcast %gt3A : f32 to vector<48x24x24xf32>
    %gt3A_10 = arith.cmpf ogt, %get3A_8, %gt3A_9 : vector<48x24x24xf32>
    %lt3A = arith.constant -5.000000e-01 : f32
    %lt3A_11 = vector.broadcast %lt3A : f32 to vector<48x24x24xf32>
    %lt3A_12 = arith.cmpf olt, %get3A_8, %lt3A_11 : vector<48x24x24xf32>
    %ge3A = arith.constant 0.000000e+00 : f32
    %ge3A_13 = vector.broadcast %ge3A : f32 to vector<48x24x24xf32>
    %ge3A_14 = arith.cmpf oge, %get3A_4, %ge3A_13 : vector<48x24x24xf32>
    %neg3A = arith.constant 0.000000e+00 : f32
    %neg3A_15 = vector.broadcast %neg3A : f32 to vector<48x24x24xf32>
    %neg3A_16 = arith.subf %neg3A_15, %get3A_4 : vector<48x24x24xf32>
    %exp3A = math.exp %neg3A_16 : vector<48x24x24xf32>
    %add3A = arith.constant 1.000000e+00 : f32
    %add3A_17 = vector.broadcast %add3A : f32 to vector<48x24x24xf32>
    %add3A_18 = arith.addf %add3A_17, %exp3A : vector<48x24x24xf32>
    %div3A = arith.constant 1.000000e+00 : f32
    %div3A_19 = vector.broadcast %div3A : f32 to vector<48x24x24xf32>
    %div3A_20 = arith.divf %div3A_19, %add3A_18 : vector<48x24x24xf32>
    %exp3A_21 = math.exp %get3A_4 : vector<48x24x24xf32>
    %exp3A_22 = math.exp %get3A_4 : vector<48x24x24xf32>
    %add3A_23 = arith.constant 1.000000e+00 : f32
    %add3A_24 = vector.broadcast %add3A_23 : f32 to vector<48x24x24xf32>
    %add3A_25 = arith.addf %add3A_24, %exp3A_22 : vector<48x24x24xf32>
    %div3A_26 = arith.divf %exp3A_21, %add3A_25 : vector<48x24x24xf32>
    %select_n3A = arith.select %ge3A_14, %div3A_20, %div3A_26 : vector<48x24x24xi1>, vector<48x24x24xf32>
    %log3A = math.log %select_n3A : vector<48x24x24xf32>
    %sub3A = arith.constant 1.000000e+00 : f32
    %sub3A_27 = vector.broadcast %sub3A : f32 to vector<48x24x24xf32>
    %sub3A_28 = arith.subf %sub3A_27, %select_n3A : vector<48x24x24xf32>
    %integer_pow3A = arith.mulf %sub3A_28, %sub3A_28 : vector<48x24x24xf32>
    %neg3A_29 = arith.constant 0.000000e+00 : f32
    %neg3A_30 = vector.broadcast %neg3A_29 : f32 to vector<48x24x24xf32>
    %neg3A_31 = arith.subf %neg3A_30, %integer_pow3A : vector<48x24x24xf32>
    %mul3A = arith.constant 5.000000e-01 : f32
    %mul3A_32 = vector.broadcast %mul3A : f32 to vector<48x24x24xf32>
    %mul3A_33 = arith.mulf %mul3A_32, %log3A : vector<48x24x24xf32>
    %mul3A_34 = arith.mulf %neg3A_31, %mul3A_33 : vector<48x24x24xf32>
    %jit3A = arith.constant 0.000000e+00 : f32
    %broadcast_in_dim3A = vector.broadcast %jit3A : f32 to vector<48x24x24xf32>
    %select_n3A_35 = arith.select %gt3A_10, %mul3A_34, %broadcast_in_dim3A : vector<48x24x24xi1>, vector<48x24x24xf32>
    %reshape3A = vector.shape_cast %select_n3A_35 : vector<48x24x24xf32> to vector<1152x24xf32>
    %reduce_sum3A = arith.constant dense<0.000000e+00> : vector<24xf32>
    %reduce_sum3A_36 = vector.multi_reduction <add>, %reshape3A, %reduce_sum3A [0] : vector<1152x24xf32> to vector<24xf32>
    %broadcast_in_dim3A_37 = vector.shape_cast %reduce_sum3A_36 : vector<24xf32> to vector<1x24xf32>
    %broadcast_in_dim3A_38 = arith.constant 0.000000e+00 : f32
    %broadcast_in_dim3A_39 = vector.broadcast %broadcast_in_dim3A_38 : f32 to vector<1x104xf32>
    %concatenate3A = tpu.concatenate %broadcast_in_dim3A_37, %broadcast_in_dim3A_39 in 1 : vector<1x24xf32>, vector<1x104xf32> -> vector<1x128xf32>
    %get3A_40 = arith.constant 0 : index
    %get3A_41 = arith.constant 24 : index
    %get3A_42 = arith.constant 0 : index
    %get3A_43 = vector.load %arg1[%get3A_40, %get3A_41, %get3A_42] : memref<48x120x24xf32, #tpu.memory_space<vmem>>, vector<48x24x24xf32>
    %get3A_44 = arith.constant 0 : index
    %get3A_45 = arith.constant 24 : index
    %get3A_46 = arith.constant 0 : index
    %get3A_47 = vector.load %arg2[%get3A_44, %get3A_45, %get3A_46] : memref<48x120x24xf32, #tpu.memory_space<vmem>>, vector<48x24x24xf32>
    %sub3A_48 = arith.subf %get3A_43, %get3A_47 : vector<48x24x24xf32>
    %abs3A = math.absf %sub3A_48 : vector<48x24x24xf32>
    %lt3A_49 = arith.constant 1.000000e+00 : f32
    %lt3A_50 = vector.broadcast %lt3A_49 : f32 to vector<48x24x24xf32>
    %lt3A_51 = arith.cmpf olt, %abs3A, %lt3A_50 : vector<48x24x24xf32>
    %mul3A_52 = arith.constant 5.000000e-01 : f32
    %mul3A_53 = vector.broadcast %mul3A_52 : f32 to vector<48x24x24xf32>
    %mul3A_54 = arith.mulf %mul3A_53, %sub3A_48 : vector<48x24x24xf32>
    %mul3A_55 = arith.mulf %mul3A_54, %sub3A_48 : vector<48x24x24xf32>
    %sub3A_56 = arith.constant 5.000000e-01 : f32
    %sub3A_57 = vector.broadcast %sub3A_56 : f32 to vector<48x24x24xf32>
    %sub3A_58 = arith.subf %abs3A, %sub3A_57 : vector<48x24x24xf32>
    %select_n3A_59 = arith.select %lt3A_51, %mul3A_55, %sub3A_58 : vector<48x24x24xi1>, vector<48x24x24xf32>
    %jit3A_60 = arith.constant 0.000000e+00 : f32
    %broadcast_in_dim3A_61 = vector.broadcast %jit3A_60 : f32 to vector<48x24x24xf32>
    %select_n3A_62 = arith.select %gt3A_10, %select_n3A_59, %broadcast_in_dim3A_61 : vector<48x24x24xi1>, vector<48x24x24xf32>
    %reshape3A_63 = vector.shape_cast %select_n3A_62 : vector<48x24x24xf32> to vector<1152x24xf32>
    %reduce_sum3A_64 = arith.constant dense<0.000000e+00> : vector<24xf32>
    %reduce_sum3A_65 = vector.multi_reduction <add>, %reshape3A_63, %reduce_sum3A_64 [0] : vector<1152x24xf32> to vector<24xf32>
    %broadcast_in_dim3A_66 = vector.shape_cast %reduce_sum3A_65 : vector<24xf32> to vector<1x24xf32>
    %broadcast_in_dim3A_67 = arith.constant 0.000000e+00 : f32
    %broadcast_in_dim3A_68 = vector.broadcast %broadcast_in_dim3A_67 : f32 to vector<1x104xf32>
    %concatenate3A_69 = tpu.concatenate %broadcast_in_dim3A_66, %broadcast_in_dim3A_68 in 1 : vector<1x24xf32>, vector<1x104xf32> -> vector<1x128xf32>
    %get3A_70 = arith.constant 0 : index
    %get3A_71 = arith.constant 48 : index
    %get3A_72 = arith.constant 0 : index
    %get3A_73 = vector.load %arg1[%get3A_70, %get3A_71, %get3A_72] : memref<48x120x24xf32, #tpu.memory_space<vmem>>, vector<48x24x24xf32>
    %get3A_74 = arith.constant 0 : index
    %get3A_75 = arith.constant 48 : index
    %get3A_76 = arith.constant 0 : index
    %get3A_77 = vector.load %arg2[%get3A_74, %get3A_75, %get3A_76] : memref<48x120x24xf32, #tpu.memory_space<vmem>>, vector<48x24x24xf32>
    %sub3A_78 = arith.subf %get3A_73, %get3A_77 : vector<48x24x24xf32>
    %abs3A_79 = math.absf %sub3A_78 : vector<48x24x24xf32>
    %lt3A_80 = arith.constant 1.000000e+00 : f32
    %lt3A_81 = vector.broadcast %lt3A_80 : f32 to vector<48x24x24xf32>
    %lt3A_82 = arith.cmpf olt, %abs3A_79, %lt3A_81 : vector<48x24x24xf32>
    %mul3A_83 = arith.constant 5.000000e-01 : f32
    %mul3A_84 = vector.broadcast %mul3A_83 : f32 to vector<48x24x24xf32>
    %mul3A_85 = arith.mulf %mul3A_84, %sub3A_78 : vector<48x24x24xf32>
    %mul3A_86 = arith.mulf %mul3A_85, %sub3A_78 : vector<48x24x24xf32>
    %sub3A_87 = arith.constant 5.000000e-01 : f32
    %sub3A_88 = vector.broadcast %sub3A_87 : f32 to vector<48x24x24xf32>
    %sub3A_89 = arith.subf %abs3A_79, %sub3A_88 : vector<48x24x24xf32>
    %select_n3A_90 = arith.select %lt3A_82, %mul3A_86, %sub3A_89 : vector<48x24x24xi1>, vector<48x24x24xf32>
    %jit3A_91 = arith.constant 0.000000e+00 : f32
    %broadcast_in_dim3A_92 = vector.broadcast %jit3A_91 : f32 to vector<48x24x24xf32>
    %select_n3A_93 = arith.select %gt3A_10, %select_n3A_90, %broadcast_in_dim3A_92 : vector<48x24x24xi1>, vector<48x24x24xf32>
    %reshape3A_94 = vector.shape_cast %select_n3A_93 : vector<48x24x24xf32> to vector<1152x24xf32>
    %reduce_sum3A_95 = arith.constant dense<0.000000e+00> : vector<24xf32>
    %reduce_sum3A_96 = vector.multi_reduction <add>, %reshape3A_94, %reduce_sum3A_95 [0] : vector<1152x24xf32> to vector<24xf32>
    %broadcast_in_dim3A_97 = vector.shape_cast %reduce_sum3A_96 : vector<24xf32> to vector<1x24xf32>
    %broadcast_in_dim3A_98 = arith.constant 0.000000e+00 : f32
    %broadcast_in_dim3A_99 = vector.broadcast %broadcast_in_dim3A_98 : f32 to vector<1x104xf32>
    %concatenate3A_100 = tpu.concatenate %broadcast_in_dim3A_97, %broadcast_in_dim3A_99 in 1 : vector<1x24xf32>, vector<1x104xf32> -> vector<1x128xf32>
    %get3A_101 = arith.constant 0 : index
    %get3A_102 = arith.constant 72 : index
    %get3A_103 = arith.constant 0 : index
    %get3A_104 = vector.load %arg1[%get3A_101, %get3A_102, %get3A_103] : memref<48x120x24xf32, #tpu.memory_space<vmem>>, vector<48x24x24xf32>
    %get3A_105 = arith.constant 0 : index
    %get3A_106 = arith.constant 72 : index
    %get3A_107 = arith.constant 0 : index
    %get3A_108 = vector.load %arg2[%get3A_105, %get3A_106, %get3A_107] : memref<48x120x24xf32, #tpu.memory_space<vmem>>, vector<48x24x24xf32>
    %sub3A_109 = arith.subf %get3A_104, %get3A_108 : vector<48x24x24xf32>
    %abs3A_110 = math.absf %sub3A_109 : vector<48x24x24xf32>
    %lt3A_111 = arith.constant 1.000000e+00 : f32
    %lt3A_112 = vector.broadcast %lt3A_111 : f32 to vector<48x24x24xf32>
    %lt3A_113 = arith.cmpf olt, %abs3A_110, %lt3A_112 : vector<48x24x24xf32>
    %mul3A_114 = arith.constant 5.000000e-01 : f32
    %mul3A_115 = vector.broadcast %mul3A_114 : f32 to vector<48x24x24xf32>
    %mul3A_116 = arith.mulf %mul3A_115, %sub3A_109 : vector<48x24x24xf32>
    %mul3A_117 = arith.mulf %mul3A_116, %sub3A_109 : vector<48x24x24xf32>
    %sub3A_118 = arith.constant 5.000000e-01 : f32
    %sub3A_119 = vector.broadcast %sub3A_118 : f32 to vector<48x24x24xf32>
    %sub3A_120 = arith.subf %abs3A_110, %sub3A_119 : vector<48x24x24xf32>
    %select_n3A_121 = arith.select %lt3A_113, %mul3A_117, %sub3A_120 : vector<48x24x24xi1>, vector<48x24x24xf32>
    %jit3A_122 = arith.constant 0.000000e+00 : f32
    %broadcast_in_dim3A_123 = vector.broadcast %jit3A_122 : f32 to vector<48x24x24xf32>
    %select_n3A_124 = arith.select %gt3A_10, %select_n3A_121, %broadcast_in_dim3A_123 : vector<48x24x24xi1>, vector<48x24x24xf32>
    %reshape3A_125 = vector.shape_cast %select_n3A_124 : vector<48x24x24xf32> to vector<1152x24xf32>
    %reduce_sum3A_126 = arith.constant dense<0.000000e+00> : vector<24xf32>
    %reduce_sum3A_127 = vector.multi_reduction <add>, %reshape3A_125, %reduce_sum3A_126 [0] : vector<1152x24xf32> to vector<24xf32>
    %broadcast_in_dim3A_128 = vector.shape_cast %reduce_sum3A_127 : vector<24xf32> to vector<1x24xf32>
    %broadcast_in_dim3A_129 = arith.constant 0.000000e+00 : f32
    %broadcast_in_dim3A_130 = vector.broadcast %broadcast_in_dim3A_129 : f32 to vector<1x104xf32>
    %concatenate3A_131 = tpu.concatenate %broadcast_in_dim3A_128, %broadcast_in_dim3A_130 in 1 : vector<1x24xf32>, vector<1x104xf32> -> vector<1x128xf32>
    %get3A_132 = arith.constant 0 : index
    %get3A_133 = arith.constant 96 : index
    %get3A_134 = arith.constant 0 : index
    %get3A_135 = vector.load %arg1[%get3A_132, %get3A_133, %get3A_134] : memref<48x120x24xf32, #tpu.memory_space<vmem>>, vector<48x24x24xf32>
    %get3A_136 = arith.constant 0 : index
    %get3A_137 = arith.constant 96 : index
    %get3A_138 = arith.constant 0 : index
    %get3A_139 = vector.load %arg2[%get3A_136, %get3A_137, %get3A_138] : memref<48x120x24xf32, #tpu.memory_space<vmem>>, vector<48x24x24xf32>
    %sub3A_140 = arith.subf %get3A_135, %get3A_139 : vector<48x24x24xf32>
    %abs3A_141 = math.absf %sub3A_140 : vector<48x24x24xf32>
    %lt3A_142 = arith.constant 1.000000e+00 : f32
    %lt3A_143 = vector.broadcast %lt3A_142 : f32 to vector<48x24x24xf32>
    %lt3A_144 = arith.cmpf olt, %abs3A_141, %lt3A_143 : vector<48x24x24xf32>
    %mul3A_145 = arith.constant 5.000000e-01 : f32
    %mul3A_146 = vector.broadcast %mul3A_145 : f32 to vector<48x24x24xf32>
    %mul3A_147 = arith.mulf %mul3A_146, %sub3A_140 : vector<48x24x24xf32>
    %mul3A_148 = arith.mulf %mul3A_147, %sub3A_140 : vector<48x24x24xf32>
    %sub3A_149 = arith.constant 5.000000e-01 : f32
    %sub3A_150 = vector.broadcast %sub3A_149 : f32 to vector<48x24x24xf32>
    %sub3A_151 = arith.subf %abs3A_141, %sub3A_150 : vector<48x24x24xf32>
    %select_n3A_152 = arith.select %lt3A_144, %mul3A_148, %sub3A_151 : vector<48x24x24xi1>, vector<48x24x24xf32>
    %jit3A_153 = arith.constant 0.000000e+00 : f32
    %broadcast_in_dim3A_154 = vector.broadcast %jit3A_153 : f32 to vector<48x24x24xf32>
    %select_n3A_155 = arith.select %gt3A_10, %select_n3A_152, %broadcast_in_dim3A_154 : vector<48x24x24xi1>, vector<48x24x24xf32>
    %reshape3A_156 = vector.shape_cast %select_n3A_155 : vector<48x24x24xf32> to vector<1152x24xf32>
    %reduce_sum3A_157 = arith.constant dense<0.000000e+00> : vector<24xf32>
    %reduce_sum3A_158 = vector.multi_reduction <add>, %reshape3A_156, %reduce_sum3A_157 [0] : vector<1152x24xf32> to vector<24xf32>
    %broadcast_in_dim3A_159 = vector.shape_cast %reduce_sum3A_158 : vector<24xf32> to vector<1x24xf32>
    %broadcast_in_dim3A_160 = arith.constant 0.000000e+00 : f32
    %broadcast_in_dim3A_161 = vector.broadcast %broadcast_in_dim3A_160 : f32 to vector<1x104xf32>
    %concatenate3A_162 = tpu.concatenate %broadcast_in_dim3A_159, %broadcast_in_dim3A_161 in 1 : vector<1x24xf32>, vector<1x104xf32> -> vector<1x128xf32>
    %convert_element_type3A_163 = arith.extui %gt3A_10 : vector<48x24x24xi1> to vector<48x24x24xi32>
    %convert_element_type3A_164 = arith.sitofp %convert_element_type3A_163 : vector<48x24x24xi32> to vector<48x24x24xf32>
    %reshape3A_165 = vector.shape_cast %convert_element_type3A_164 : vector<48x24x24xf32> to vector<1152x24xf32>
    %reduce_sum3A_166 = arith.constant dense<0.000000e+00> : vector<24xf32>
    %reduce_sum3A_167 = vector.multi_reduction <add>, %reshape3A_165, %reduce_sum3A_166 [0] : vector<1152x24xf32> to vector<24xf32>
    %broadcast_in_dim3A_168 = vector.shape_cast %reduce_sum3A_167 : vector<24xf32> to vector<1x24xf32>
    %broadcast_in_dim3A_169 = arith.constant 0.000000e+00 : f32
    %broadcast_in_dim3A_170 = vector.broadcast %broadcast_in_dim3A_169 : f32 to vector<1x104xf32>
    %concatenate3A_171 = tpu.concatenate %broadcast_in_dim3A_168, %broadcast_in_dim3A_170 in 1 : vector<1x24xf32>, vector<1x104xf32> -> vector<1x128xf32>
    %ge3A_172 = arith.constant 5.000000e-01 : f32
    %ge3A_173 = vector.broadcast %ge3A_172 : f32 to vector<48x24x24xf32>
    %ge3A_174 = arith.cmpf oge, %select_n3A, %ge3A_173 : vector<48x24x24xf32>
    %and3A = arith.andi %gt3A_10, %ge3A_174 : vector<48x24x24xi1>
    %convert_element_type3A_175 = arith.extui %and3A : vector<48x24x24xi1> to vector<48x24x24xi32>
    %convert_element_type3A_176 = arith.sitofp %convert_element_type3A_175 : vector<48x24x24xi32> to vector<48x24x24xf32>
    %reshape3A_177 = vector.shape_cast %convert_element_type3A_176 : vector<48x24x24xf32> to vector<1152x24xf32>
    %reduce_sum3A_178 = arith.constant dense<0.000000e+00> : vector<24xf32>
    %reduce_sum3A_179 = vector.multi_reduction <add>, %reshape3A_177, %reduce_sum3A_178 [0] : vector<1152x24xf32> to vector<24xf32>
    %broadcast_in_dim3A_180 = vector.shape_cast %reduce_sum3A_179 : vector<24xf32> to vector<1x24xf32>
    %broadcast_in_dim3A_181 = arith.constant 0.000000e+00 : f32
    %broadcast_in_dim3A_182 = vector.broadcast %broadcast_in_dim3A_181 : f32 to vector<1x104xf32>
    %concatenate3A_183 = tpu.concatenate %broadcast_in_dim3A_180, %broadcast_in_dim3A_182 in 1 : vector<1x24xf32>, vector<1x104xf32> -> vector<1x128xf32>
    %convert_element_type3A_184 = arith.extui %lt3A_12 : vector<48x24x24xi1> to vector<48x24x24xi32>
    %convert_element_type3A_185 = arith.sitofp %convert_element_type3A_184 : vector<48x24x24xi32> to vector<48x24x24xf32>
    %reshape3A_186 = vector.shape_cast %convert_element_type3A_185 : vector<48x24x24xf32> to vector<1152x24xf32>
    %reduce_sum3A_187 = arith.constant dense<0.000000e+00> : vector<24xf32>
    %reduce_sum3A_188 = vector.multi_reduction <add>, %reshape3A_186, %reduce_sum3A_187 [0] : vector<1152x24xf32> to vector<24xf32>
    %broadcast_in_dim3A_189 = vector.shape_cast %reduce_sum3A_188 : vector<24xf32> to vector<1x24xf32>
    %broadcast_in_dim3A_190 = arith.constant 0.000000e+00 : f32
    %broadcast_in_dim3A_191 = vector.broadcast %broadcast_in_dim3A_190 : f32 to vector<1x104xf32>
    %concatenate3A_192 = tpu.concatenate %broadcast_in_dim3A_189, %broadcast_in_dim3A_191 in 1 : vector<1x24xf32>, vector<1x104xf32> -> vector<1x128xf32>
    %get3A_193 = arith.constant 0 : index
    %get3A_194 = arith.constant 0 : index
    %get3A_195 = vector.load %arg4[%get3A_193, %get3A_194] : memref<6144x96xf32, #tpu.memory_space<vmem>>, vector<6144x96xf32>
    %get3A_196 = arith.constant 0 : index
    %get3A_197 = arith.constant 0 : index
    %get3A_198 = vector.load %arg3[%get3A_196, %get3A_197] : memref<6144x96xf32, #tpu.memory_space<vmem>>, vector<6144x96xf32>
    %sub3A_199 = arith.subf %get3A_195, %get3A_198 : vector<6144x96xf32>
    %mul3A_200 = arith.mulf %sub3A_199, %sub3A_199 : vector<6144x96xf32>
    %reduce_sum3A_201 = arith.constant dense<0.000000e+00> : vector<96xf32>
    %reduce_sum3A_202 = vector.multi_reduction <add>, %mul3A_200, %reduce_sum3A_201 [0] : vector<6144x96xf32> to vector<96xf32>
    %broadcast_in_dim3A_203 = vector.shape_cast %reduce_sum3A_202 : vector<96xf32> to vector<1x96xf32>
    %broadcast_in_dim3A_204 = arith.constant 0.000000e+00 : f32
    %broadcast_in_dim3A_205 = vector.broadcast %broadcast_in_dim3A_204 : f32 to vector<1x32xf32>
    %concatenate3A_206 = tpu.concatenate %broadcast_in_dim3A_203, %broadcast_in_dim3A_205 in 1 : vector<1x96xf32>, vector<1x32xf32> -> vector<1x128xf32>
    %concatenate3A_207 = tpu.concatenate %concatenate3A, %concatenate3A_69, %concatenate3A_100, %concatenate3A_131, %concatenate3A_162, %concatenate3A_171, %concatenate3A_183, %concatenate3A_192, %concatenate3A_206 in 0 : vector<1x128xf32>, vector<1x128xf32>, vector<1x128xf32>, vector<1x128xf32>, vector<1x128xf32>, vector<1x128xf32>, vector<1x128xf32>, vector<1x128xf32>, vector<1x128xf32> -> vector<9x128xf32>
    %broadcast_in_dim3A_208 = arith.constant 0.000000e+00 : f32
    %broadcast_in_dim3A_209 = vector.broadcast %broadcast_in_dim3A_208 : f32 to vector<7x128xf32>
    %concatenate3A_210 = tpu.concatenate %concatenate3A_207, %broadcast_in_dim3A_209 in 0 : vector<9x128xf32>, vector<7x128xf32> -> vector<16x128xf32>
    %get3A_211 = arith.constant 0 : index
    %get3A_212 = arith.constant 0 : index
    %get3A_213 = vector.load %arg5[%get3A_211, %get3A_212] : memref<16x128xf32, #tpu.memory_space<vmem>>, vector<16x128xf32>
    %add3A_214 = arith.addf %get3A_213, %concatenate3A_210 : vector<16x128xf32>
    %swap3A = arith.constant 0 : index
    %swap3A_215 = arith.constant 0 : index
    %swap3A_216 = vector.load %arg5[%swap3A, %swap3A_215] : memref<16x128xf32, #tpu.memory_space<vmem>>, vector<16x128xf32>
    tpu.vector_store %arg5[%swap3A, %swap3A_215], %add3A_214 {strides = array<i32>} : memref<16x128xf32, #tpu.memory_space<vmem>>, vector<16x128xf32>,
    %jit3A_217 = arith.constant 0xFF800000 : f32
    %broadcast_in_dim3A_218 = vector.broadcast %jit3A_217 : f32 to vector<48x24x24xf32>
    %select_n3A_219 = arith.select %lt3A_12, %get3A_4, %broadcast_in_dim3A_218 : vector<48x24x24xi1>, vector<48x24x24xf32>
    %reshape3A_220 = vector.shape_cast %select_n3A_219 : vector<48x24x24xf32> to vector<1152x24xf32>
    %broadcast_in_dim3A_221 = arith.constant 0xFF800000 : f32
    %broadcast_in_dim3A_222 = vector.broadcast %broadcast_in_dim3A_221 : f32 to vector<1152x104xf32>
    %concatenate3A_223 = tpu.concatenate %reshape3A_220, %broadcast_in_dim3A_222 in 1 : vector<1152x24xf32>, vector<1152x104xf32> -> vector<1152x128xf32>
    %swap3A_224 = arith.constant 0 : index
    %swap3A_225 = arith.constant 0 : index
    %swap3A_226 = vector.load %arg6[%swap3A_224, %swap3A_225] : memref<1152x128xf32, #tpu.memory_space<vmem>>, vector<1152x128xf32>
    tpu.vector_store %arg6[%swap3A_224, %swap3A_225], %concatenate3A_223 {strides = array<i32>} : memref<1152x128xf32, #tpu.memory_space<vmem>>, vector<1152x128xf32>,
    return
  }
  func.func @transform_0(%arg0: i32) -> (i32, i32, i32) {
    %c0_i32 = arith.constant 0 : i32
    %c0_i32_0 = arith.constant 0 : i32
    %c0_i32_1 = arith.constant 0 : i32
    return %arg0, %c0_i32, %c0_i32_0 : i32, i32, i32
  }
  func.func @transform_1(%arg0: i32) -> (i32, i32, i32) {
    %c0_i32 = arith.constant 0 : i32
    %c0_i32_0 = arith.constant 0 : i32
    %c0_i32_1 = arith.constant 0 : i32
    return %arg0, %c0_i32, %c0_i32_0 : i32, i32, i32
  }
  func.func @transform_2(%arg0: i32) -> (i32, i32) {
    %c0_i32 = arith.constant 0 : i32
    %c0_i32_0 = arith.constant 0 : i32
    return %arg0, %c0_i32 : i32, i32
  }
  func.func @transform_3(%arg0: i32) -> (i32, i32) {
    %c0_i32 = arith.constant 0 : i32
    %c0_i32_0 = arith.constant 0 : i32
    return %arg0, %c0_i32 : i32, i32
  }
  func.func @transform_4(%arg0: i32) -> (i32, i32) {
    %c0_i32 = arith.constant 0 : i32
    %c0_i32_0 = arith.constant 0 : i32
    %c0_i32_1 = arith.constant 0 : i32
    return %c0_i32, %c0_i32_0 : i32, i32
  }
  func.func @transform_5(%arg0: i32) -> (i32, i32) {
    %c0_i32 = arith.constant 0 : i32
    %c0_i32_0 = arith.constant 0 : i32
    return %arg0, %c0_i32 : i32, i32
  }
}

module attributes {stable_mosaic.version = 14 : i64} {
  func.func @body(%arg0: memref<16x128xf32, #tpu.memory_space<vmem>>, %arg1: memref<16x128xf32, #tpu.memory_space<vmem>>, %arg2: memref<1x128xf32, #tpu.memory_space<vmem>>) attributes {dimension_semantics = [], scalar_prefetch = 0 : i64, scratch_operands = 0 : i64, tpu.core_type = #tpu.core_type<tc>} {
    %get3A = arith.constant 0 : index
    %get3A_0 = arith.constant 0 : index
    %get3A_1 = vector.load %arg0[%get3A, %get3A_0] : memref<16x128xf32, #tpu.memory_space<vmem>>, vector<16x128xf32>
    %slice3A = vector.extract_strided_slice %get3A_1 {offsets = [0, 0], sizes = [1, 128], strides = [1, 1]} : vector<16x128xf32> to vector<1x128xf32>
    %reduce_sum3A = vector.shape_cast %slice3A : vector<1x128xf32> to vector<1x1x128xf32>
    %reduce_sum3A_2 = arith.constant dense<0.000000e+00> : vector<1xf32>
    %reduce_sum3A_3 = vector.multi_reduction <add>, %reduce_sum3A, %reduce_sum3A_2 [1, 2] : vector<1x1x128xf32> to vector<1xf32>
    %reduce_sum3A_4 = vector.shape_cast %reduce_sum3A_3 : vector<1xf32> to vector<1x1x1xf32>
    %reduce_sum3A_5 = vector.extract %reduce_sum3A_4[0, 0, 0] : f32 from vector<1x1x1xf32>
    %slice3A_6 = vector.extract_strided_slice %get3A_1 {offsets = [1, 0], sizes = [1, 128], strides = [1, 1]} : vector<16x128xf32> to vector<1x128xf32>
    %reduce_sum3A_7 = vector.shape_cast %slice3A_6 : vector<1x128xf32> to vector<1x1x128xf32>
    %reduce_sum3A_8 = arith.constant dense<0.000000e+00> : vector<1xf32>
    %reduce_sum3A_9 = vector.multi_reduction <add>, %reduce_sum3A_7, %reduce_sum3A_8 [1, 2] : vector<1x1x128xf32> to vector<1xf32>
    %reduce_sum3A_10 = vector.shape_cast %reduce_sum3A_9 : vector<1xf32> to vector<1x1x1xf32>
    %reduce_sum3A_11 = vector.extract %reduce_sum3A_10[0, 0, 0] : f32 from vector<1x1x1xf32>
    %slice3A_12 = vector.extract_strided_slice %get3A_1 {offsets = [2, 0], sizes = [1, 128], strides = [1, 1]} : vector<16x128xf32> to vector<1x128xf32>
    %reduce_sum3A_13 = vector.shape_cast %slice3A_12 : vector<1x128xf32> to vector<1x1x128xf32>
    %reduce_sum3A_14 = arith.constant dense<0.000000e+00> : vector<1xf32>
    %reduce_sum3A_15 = vector.multi_reduction <add>, %reduce_sum3A_13, %reduce_sum3A_14 [1, 2] : vector<1x1x128xf32> to vector<1xf32>
    %reduce_sum3A_16 = vector.shape_cast %reduce_sum3A_15 : vector<1xf32> to vector<1x1x1xf32>
    %reduce_sum3A_17 = vector.extract %reduce_sum3A_16[0, 0, 0] : f32 from vector<1x1x1xf32>
    %slice3A_18 = vector.extract_strided_slice %get3A_1 {offsets = [3, 0], sizes = [1, 128], strides = [1, 1]} : vector<16x128xf32> to vector<1x128xf32>
    %reduce_sum3A_19 = vector.shape_cast %slice3A_18 : vector<1x128xf32> to vector<1x1x128xf32>
    %reduce_sum3A_20 = arith.constant dense<0.000000e+00> : vector<1xf32>
    %reduce_sum3A_21 = vector.multi_reduction <add>, %reduce_sum3A_19, %reduce_sum3A_20 [1, 2] : vector<1x1x128xf32> to vector<1xf32>
    %reduce_sum3A_22 = vector.shape_cast %reduce_sum3A_21 : vector<1xf32> to vector<1x1x1xf32>
    %reduce_sum3A_23 = vector.extract %reduce_sum3A_22[0, 0, 0] : f32 from vector<1x1x1xf32>
    %slice3A_24 = vector.extract_strided_slice %get3A_1 {offsets = [4, 0], sizes = [1, 128], strides = [1, 1]} : vector<16x128xf32> to vector<1x128xf32>
    %reduce_sum3A_25 = vector.shape_cast %slice3A_24 : vector<1x128xf32> to vector<1x1x128xf32>
    %reduce_sum3A_26 = arith.constant dense<0.000000e+00> : vector<1xf32>
    %reduce_sum3A_27 = vector.multi_reduction <add>, %reduce_sum3A_25, %reduce_sum3A_26 [1, 2] : vector<1x1x128xf32> to vector<1xf32>
    %reduce_sum3A_28 = vector.shape_cast %reduce_sum3A_27 : vector<1xf32> to vector<1x1x1xf32>
    %reduce_sum3A_29 = vector.extract %reduce_sum3A_28[0, 0, 0] : f32 from vector<1x1x1xf32>
    %slice3A_30 = vector.extract_strided_slice %get3A_1 {offsets = [5, 0], sizes = [1, 128], strides = [1, 1]} : vector<16x128xf32> to vector<1x128xf32>
    %reduce_sum3A_31 = vector.shape_cast %slice3A_30 : vector<1x128xf32> to vector<1x1x128xf32>
    %reduce_sum3A_32 = arith.constant dense<0.000000e+00> : vector<1xf32>
    %reduce_sum3A_33 = vector.multi_reduction <add>, %reduce_sum3A_31, %reduce_sum3A_32 [1, 2] : vector<1x1x128xf32> to vector<1xf32>
    %reduce_sum3A_34 = vector.shape_cast %reduce_sum3A_33 : vector<1xf32> to vector<1x1x1xf32>
    %reduce_sum3A_35 = vector.extract %reduce_sum3A_34[0, 0, 0] : f32 from vector<1x1x1xf32>
    %slice3A_36 = vector.extract_strided_slice %get3A_1 {offsets = [6, 0], sizes = [1, 128], strides = [1, 1]} : vector<16x128xf32> to vector<1x128xf32>
    %reduce_sum3A_37 = vector.shape_cast %slice3A_36 : vector<1x128xf32> to vector<1x1x128xf32>
    %reduce_sum3A_38 = arith.constant dense<0.000000e+00> : vector<1xf32>
    %reduce_sum3A_39 = vector.multi_reduction <add>, %reduce_sum3A_37, %reduce_sum3A_38 [1, 2] : vector<1x1x128xf32> to vector<1xf32>
    %reduce_sum3A_40 = vector.shape_cast %reduce_sum3A_39 : vector<1xf32> to vector<1x1x1xf32>
    %reduce_sum3A_41 = vector.extract %reduce_sum3A_40[0, 0, 0] : f32 from vector<1x1x1xf32>
    %slice3A_42 = vector.extract_strided_slice %get3A_1 {offsets = [7, 0], sizes = [1, 128], strides = [1, 1]} : vector<16x128xf32> to vector<1x128xf32>
    %reduce_sum3A_43 = vector.shape_cast %slice3A_42 : vector<1x128xf32> to vector<1x1x128xf32>
    %reduce_sum3A_44 = arith.constant dense<0.000000e+00> : vector<1xf32>
    %reduce_sum3A_45 = vector.multi_reduction <add>, %reduce_sum3A_43, %reduce_sum3A_44 [1, 2] : vector<1x1x128xf32> to vector<1xf32>
    %reduce_sum3A_46 = vector.shape_cast %reduce_sum3A_45 : vector<1xf32> to vector<1x1x1xf32>
    %reduce_sum3A_47 = vector.extract %reduce_sum3A_46[0, 0, 0] : f32 from vector<1x1x1xf32>
    %slice3A_48 = vector.extract_strided_slice %get3A_1 {offsets = [8, 0], sizes = [1, 128], strides = [1, 1]} : vector<16x128xf32> to vector<1x128xf32>
    %reduce_sum3A_49 = vector.shape_cast %slice3A_48 : vector<1x128xf32> to vector<1x1x128xf32>
    %reduce_sum3A_50 = arith.constant dense<0.000000e+00> : vector<1xf32>
    %reduce_sum3A_51 = vector.multi_reduction <add>, %reduce_sum3A_49, %reduce_sum3A_50 [1, 2] : vector<1x1x128xf32> to vector<1xf32>
    %reduce_sum3A_52 = vector.shape_cast %reduce_sum3A_51 : vector<1xf32> to vector<1x1x1xf32>
    %reduce_sum3A_53 = vector.extract %reduce_sum3A_52[0, 0, 0] : f32 from vector<1x1x1xf32>
    %get3A_54 = arith.constant 0 : index
    %get3A_55 = arith.constant 0 : index
    %get3A_56 = vector.load %arg1[%get3A_54, %get3A_55] : memref<16x128xf32, #tpu.memory_space<vmem>>, vector<16x128xf32>
    %iota3A = tpu.iota {dimensions = array<i32: 0>} : vector<16x128xi32>
    %iota3A_57 = tpu.iota {dimensions = array<i32: 1>} : vector<16x128xi32>
    %and3A = arith.constant 1 : i32
    %and3A_58 = vector.broadcast %and3A : i32 to vector<16x128xi32>
    %and3A_59 = arith.andi %iota3A_57, %and3A_58 : vector<16x128xi32>
    %eq3A = arith.constant 0 : i32
    %eq3A_60 = vector.broadcast %eq3A : i32 to vector<16x128xi32>
    %eq3A_61 = arith.cmpi eq, %and3A_59, %eq3A_60 : vector<16x128xi32>
    %roll3A = arith.constant 127 : i32
    %roll3A_62 = tpu.dynamic_rotate %get3A_56 by %roll3A dim 1 : vector<16x128xf32>, i32 -> vector<16x128xf32>
    %roll3A_63 = arith.constant 1 : i32
    %roll3A_64 = tpu.dynamic_rotate %get3A_56 by %roll3A_63 dim 1 : vector<16x128xf32>, i32 -> vector<16x128xf32>
    %select_n3A = arith.select %eq3A_61, %roll3A_62, %roll3A_64 : vector<16x128xi1>, vector<16x128xf32>
    %and3A_65 = arith.constant 8 : i32
    %and3A_66 = vector.broadcast %and3A_65 : i32 to vector<16x128xi32>
    %and3A_67 = arith.andi %iota3A, %and3A_66 : vector<16x128xi32>
    %eq3A_68 = arith.constant 0 : i32
    %eq3A_69 = vector.broadcast %eq3A_68 : i32 to vector<16x128xi32>
    %eq3A_70 = arith.cmpi eq, %and3A_67, %eq3A_69 : vector<16x128xi32>
    %roll3A_71 = arith.constant 8 : i32
    %roll3A_72 = tpu.dynamic_rotate %select_n3A by %roll3A_71 dim 0 : vector<16x128xf32>, i32 -> vector<16x128xf32>
    %roll3A_73 = arith.constant 8 : i32
    %roll3A_74 = tpu.dynamic_rotate %select_n3A by %roll3A_73 dim 0 : vector<16x128xf32>, i32 -> vector<16x128xf32>
    %select_n3A_75 = arith.select %eq3A_70, %roll3A_72, %roll3A_74 : vector<16x128xi1>, vector<16x128xf32>
    %and3A_76 = arith.constant 4 : i32
    %and3A_77 = vector.broadcast %and3A_76 : i32 to vector<16x128xi32>
    %and3A_78 = arith.andi %iota3A, %and3A_77 : vector<16x128xi32>
    %eq3A_79 = arith.constant 0 : i32
    %eq3A_80 = vector.broadcast %eq3A_79 : i32 to vector<16x128xi32>
    %eq3A_81 = arith.cmpi eq, %and3A_78, %eq3A_80 : vector<16x128xi32>
    %roll3A_82 = arith.constant 12 : i32
    %roll3A_83 = tpu.dynamic_rotate %select_n3A_75 by %roll3A_82 dim 0 : vector<16x128xf32>, i32 -> vector<16x128xf32>
    %roll3A_84 = arith.constant 4 : i32
    %roll3A_85 = tpu.dynamic_rotate %select_n3A_75 by %roll3A_84 dim 0 : vector<16x128xf32>, i32 -> vector<16x128xf32>
    %select_n3A_86 = arith.select %eq3A_81, %roll3A_83, %roll3A_85 : vector<16x128xi1>, vector<16x128xf32>
    %and3A_87 = arith.constant 2 : i32
    %and3A_88 = vector.broadcast %and3A_87 : i32 to vector<16x128xi32>
    %and3A_89 = arith.andi %iota3A, %and3A_88 : vector<16x128xi32>
    %eq3A_90 = arith.constant 0 : i32
    %eq3A_91 = vector.broadcast %eq3A_90 : i32 to vector<16x128xi32>
    %eq3A_92 = arith.cmpi eq, %and3A_89, %eq3A_91 : vector<16x128xi32>
    %roll3A_93 = arith.constant 14 : i32
    %roll3A_94 = tpu.dynamic_rotate %select_n3A_86 by %roll3A_93 dim 0 : vector<16x128xf32>, i32 -> vector<16x128xf32>
    %roll3A_95 = arith.constant 2 : i32
    %roll3A_96 = tpu.dynamic_rotate %select_n3A_86 by %roll3A_95 dim 0 : vector<16x128xf32>, i32 -> vector<16x128xf32>
    %select_n3A_97 = arith.select %eq3A_92, %roll3A_94, %roll3A_96 : vector<16x128xi1>, vector<16x128xf32>
    %and3A_98 = arith.constant 1 : i32
    %and3A_99 = vector.broadcast %and3A_98 : i32 to vector<16x128xi32>
    %and3A_100 = arith.andi %iota3A, %and3A_99 : vector<16x128xi32>
    %eq3A_101 = arith.constant 0 : i32
    %eq3A_102 = vector.broadcast %eq3A_101 : i32 to vector<16x128xi32>
    %eq3A_103 = arith.cmpi eq, %and3A_100, %eq3A_102 : vector<16x128xi32>
    %roll3A_104 = arith.constant 15 : i32
    %roll3A_105 = tpu.dynamic_rotate %select_n3A_97 by %roll3A_104 dim 0 : vector<16x128xf32>, i32 -> vector<16x128xf32>
    %roll3A_106 = arith.constant 1 : i32
    %roll3A_107 = tpu.dynamic_rotate %select_n3A_97 by %roll3A_106 dim 0 : vector<16x128xf32>, i32 -> vector<16x128xf32>
    %select_n3A_108 = arith.select %eq3A_103, %roll3A_105, %roll3A_107 : vector<16x128xi1>, vector<16x128xf32>
    %max3A = arith.maximumf %get3A_56, %select_n3A_108 : vector<16x128xf32>
    %and3A_109 = arith.constant 8 : i32
    %and3A_110 = vector.broadcast %and3A_109 : i32 to vector<16x128xi32>
    %and3A_111 = arith.andi %iota3A, %and3A_110 : vector<16x128xi32>
    %eq3A_112 = arith.constant 0 : i32
    %eq3A_113 = vector.broadcast %eq3A_112 : i32 to vector<16x128xi32>
    %eq3A_114 = arith.cmpi eq, %and3A_111, %eq3A_113 : vector<16x128xi32>
    %roll3A_115 = arith.constant 8 : i32
    %roll3A_116 = tpu.dynamic_rotate %max3A by %roll3A_115 dim 0 : vector<16x128xf32>, i32 -> vector<16x128xf32>
    %roll3A_117 = arith.constant 8 : i32
    %roll3A_118 = tpu.dynamic_rotate %max3A by %roll3A_117 dim 0 : vector<16x128xf32>, i32 -> vector<16x128xf32>
    %select_n3A_119 = arith.select %eq3A_114, %roll3A_116, %roll3A_118 : vector<16x128xi1>, vector<16x128xf32>
    %and3A_120 = arith.constant 8 : i32
    %and3A_121 = vector.broadcast %and3A_120 : i32 to vector<16x128xi32>
    %and3A_122 = arith.andi %iota3A, %and3A_121 : vector<16x128xi32>
    %eq3A_123 = arith.constant 0 : i32
    %eq3A_124 = vector.broadcast %eq3A_123 : i32 to vector<16x128xi32>
    %eq3A_125 = arith.cmpi eq, %and3A_122, %eq3A_124 : vector<16x128xi32>
    %min3A = arith.minimumf %max3A, %select_n3A_119 : vector<16x128xf32>
    %max3A_126 = arith.maximumf %max3A, %select_n3A_119 : vector<16x128xf32>
    %select_n3A_127 = arith.select %eq3A_125, %min3A, %max3A_126 : vector<16x128xi1>, vector<16x128xf32>
    %and3A_128 = arith.constant 4 : i32
    %and3A_129 = vector.broadcast %and3A_128 : i32 to vector<16x128xi32>
    %and3A_130 = arith.andi %iota3A, %and3A_129 : vector<16x128xi32>
    %eq3A_131 = arith.constant 0 : i32
    %eq3A_132 = vector.broadcast %eq3A_131 : i32 to vector<16x128xi32>
    %eq3A_133 = arith.cmpi eq, %and3A_130, %eq3A_132 : vector<16x128xi32>
    %roll3A_134 = arith.constant 12 : i32
    %roll3A_135 = tpu.dynamic_rotate %select_n3A_127 by %roll3A_134 dim 0 : vector<16x128xf32>, i32 -> vector<16x128xf32>
    %roll3A_136 = arith.constant 4 : i32
    %roll3A_137 = tpu.dynamic_rotate %select_n3A_127 by %roll3A_136 dim 0 : vector<16x128xf32>, i32 -> vector<16x128xf32>
    %select_n3A_138 = arith.select %eq3A_133, %roll3A_135, %roll3A_137 : vector<16x128xi1>, vector<16x128xf32>
    %and3A_139 = arith.constant 4 : i32
    %and3A_140 = vector.broadcast %and3A_139 : i32 to vector<16x128xi32>
    %and3A_141 = arith.andi %iota3A, %and3A_140 : vector<16x128xi32>
    %eq3A_142 = arith.constant 0 : i32
    %eq3A_143 = vector.broadcast %eq3A_142 : i32 to vector<16x128xi32>
    %eq3A_144 = arith.cmpi eq, %and3A_141, %eq3A_143 : vector<16x128xi32>
    %min3A_145 = arith.minimumf %select_n3A_127, %select_n3A_138 : vector<16x128xf32>
    %max3A_146 = arith.maximumf %select_n3A_127, %select_n3A_138 : vector<16x128xf32>
    %select_n3A_147 = arith.select %eq3A_144, %min3A_145, %max3A_146 : vector<16x128xi1>, vector<16x128xf32>
    %and3A_148 = arith.constant 2 : i32
    %and3A_149 = vector.broadcast %and3A_148 : i32 to vector<16x128xi32>
    %and3A_150 = arith.andi %iota3A, %and3A_149 : vector<16x128xi32>
    %eq3A_151 = arith.constant 0 : i32
    %eq3A_152 = vector.broadcast %eq3A_151 : i32 to vector<16x128xi32>
    %eq3A_153 = arith.cmpi eq, %and3A_150, %eq3A_152 : vector<16x128xi32>
    %roll3A_154 = arith.constant 14 : i32
    %roll3A_155 = tpu.dynamic_rotate %select_n3A_147 by %roll3A_154 dim 0 : vector<16x128xf32>, i32 -> vector<16x128xf32>
    %roll3A_156 = arith.constant 2 : i32
    %roll3A_157 = tpu.dynamic_rotate %select_n3A_147 by %roll3A_156 dim 0 : vector<16x128xf32>, i32 -> vector<16x128xf32>
    %select_n3A_158 = arith.select %eq3A_153, %roll3A_155, %roll3A_157 : vector<16x128xi1>, vector<16x128xf32>
    %and3A_159 = arith.constant 2 : i32
    %and3A_160 = vector.broadcast %and3A_159 : i32 to vector<16x128xi32>
    %and3A_161 = arith.andi %iota3A, %and3A_160 : vector<16x128xi32>
    %eq3A_162 = arith.constant 0 : i32
    %eq3A_163 = vector.broadcast %eq3A_162 : i32 to vector<16x128xi32>
    %eq3A_164 = arith.cmpi eq, %and3A_161, %eq3A_163 : vector<16x128xi32>
    %min3A_165 = arith.minimumf %select_n3A_147, %select_n3A_158 : vector<16x128xf32>
    %max3A_166 = arith.maximumf %select_n3A_147, %select_n3A_158 : vector<16x128xf32>
    %select_n3A_167 = arith.select %eq3A_164, %min3A_165, %max3A_166 : vector<16x128xi1>, vector<16x128xf32>
    %and3A_168 = arith.constant 1 : i32
    %and3A_169 = vector.broadcast %and3A_168 : i32 to vector<16x128xi32>
    %and3A_170 = arith.andi %iota3A, %and3A_169 : vector<16x128xi32>
    %eq3A_171 = arith.constant 0 : i32
    %eq3A_172 = vector.broadcast %eq3A_171 : i32 to vector<16x128xi32>
    %eq3A_173 = arith.cmpi eq, %and3A_170, %eq3A_172 : vector<16x128xi32>
    %roll3A_174 = arith.constant 15 : i32
    %roll3A_175 = tpu.dynamic_rotate %select_n3A_167 by %roll3A_174 dim 0 : vector<16x128xf32>, i32 -> vector<16x128xf32>
    %roll3A_176 = arith.constant 1 : i32
    %roll3A_177 = tpu.dynamic_rotate %select_n3A_167 by %roll3A_176 dim 0 : vector<16x128xf32>, i32 -> vector<16x128xf32>
    %select_n3A_178 = arith.select %eq3A_173, %roll3A_175, %roll3A_177 : vector<16x128xi1>, vector<16x128xf32>
    %and3A_179 = arith.constant 1 : i32
    %and3A_180 = vector.broadcast %and3A_179 : i32 to vector<16x128xi32>
    %and3A_181 = arith.andi %iota3A, %and3A_180 : vector<16x128xi32>
    %eq3A_182 = arith.constant 0 : i32
    %eq3A_183 = vector.broadcast %eq3A_182 : i32 to vector<16x128xi32>
    %eq3A_184 = arith.cmpi eq, %and3A_181, %eq3A_183 : vector<16x128xi32>
    %min3A_185 = arith.minimumf %select_n3A_167, %select_n3A_178 : vector<16x128xf32>
    %max3A_186 = arith.maximumf %select_n3A_167, %select_n3A_178 : vector<16x128xf32>
    %select_n3A_187 = arith.select %eq3A_184, %min3A_185, %max3A_186 : vector<16x128xi1>, vector<16x128xf32>
    %and3A_188 = arith.constant 2 : i32
    %and3A_189 = vector.broadcast %and3A_188 : i32 to vector<16x128xi32>
    %and3A_190 = arith.andi %iota3A_57, %and3A_189 : vector<16x128xi32>
    %eq3A_191 = arith.constant 0 : i32
    %eq3A_192 = vector.broadcast %eq3A_191 : i32 to vector<16x128xi32>
    %eq3A_193 = arith.cmpi eq, %and3A_190, %eq3A_192 : vector<16x128xi32>
    %roll3A_194 = arith.constant 126 : i32
    %roll3A_195 = tpu.dynamic_rotate %select_n3A_187 by %roll3A_194 dim 1 : vector<16x128xf32>, i32 -> vector<16x128xf32>
    %roll3A_196 = arith.constant 2 : i32
    %roll3A_197 = tpu.dynamic_rotate %select_n3A_187 by %roll3A_196 dim 1 : vector<16x128xf32>, i32 -> vector<16x128xf32>
    %select_n3A_198 = arith.select %eq3A_193, %roll3A_195, %roll3A_197 : vector<16x128xi1>, vector<16x128xf32>
    %and3A_199 = arith.constant 8 : i32
    %and3A_200 = vector.broadcast %and3A_199 : i32 to vector<16x128xi32>
    %and3A_201 = arith.andi %iota3A, %and3A_200 : vector<16x128xi32>
    %eq3A_202 = arith.constant 0 : i32
    %eq3A_203 = vector.broadcast %eq3A_202 : i32 to vector<16x128xi32>
    %eq3A_204 = arith.cmpi eq, %and3A_201, %eq3A_203 : vector<16x128xi32>
    %roll3A_205 = arith.constant 8 : i32
    %roll3A_206 = tpu.dynamic_rotate %select_n3A_198 by %roll3A_205 dim 0 : vector<16x128xf32>, i32 -> vector<16x128xf32>
    %roll3A_207 = arith.constant 8 : i32
    %roll3A_208 = tpu.dynamic_rotate %select_n3A_198 by %roll3A_207 dim 0 : vector<16x128xf32>, i32 -> vector<16x128xf32>
    %select_n3A_209 = arith.select %eq3A_204, %roll3A_206, %roll3A_208 : vector<16x128xi1>, vector<16x128xf32>
    %and3A_210 = arith.constant 4 : i32
    %and3A_211 = vector.broadcast %and3A_210 : i32 to vector<16x128xi32>
    %and3A_212 = arith.andi %iota3A, %and3A_211 : vector<16x128xi32>
    %eq3A_213 = arith.constant 0 : i32
    %eq3A_214 = vector.broadcast %eq3A_213 : i32 to vector<16x128xi32>
    %eq3A_215 = arith.cmpi eq, %and3A_212, %eq3A_214 : vector<16x128xi32>
    %roll3A_216 = arith.constant 12 : i32
    %roll3A_217 = tpu.dynamic_rotate %select_n3A_209 by %roll3A_216 dim 0 : vector<16x128xf32>, i32 -> vector<16x128xf32>
    %roll3A_218 = arith.constant 4 : i32
    %roll3A_219 = tpu.dynamic_rotate %select_n3A_209 by %roll3A_218 dim 0 : vector<16x128xf32>, i32 -> vector<16x128xf32>
    %select_n3A_220 = arith.select %eq3A_215, %roll3A_217, %roll3A_219 : vector<16x128xi1>, vector<16x128xf32>
    %and3A_221 = arith.constant 2 : i32
    %and3A_222 = vector.broadcast %and3A_221 : i32 to vector<16x128xi32>
    %and3A_223 = arith.andi %iota3A, %and3A_222 : vector<16x128xi32>
    %eq3A_224 = arith.constant 0 : i32
    %eq3A_225 = vector.broadcast %eq3A_224 : i32 to vector<16x128xi32>
    %eq3A_226 = arith.cmpi eq, %and3A_223, %eq3A_225 : vector<16x128xi32>
    %roll3A_227 = arith.constant 14 : i32
    %roll3A_228 = tpu.dynamic_rotate %select_n3A_220 by %roll3A_227 dim 0 : vector<16x128xf32>, i32 -> vector<16x128xf32>
    %roll3A_229 = arith.constant 2 : i32
    %roll3A_230 = tpu.dynamic_rotate %select_n3A_220 by %roll3A_229 dim 0 : vector<16x128xf32>, i32 -> vector<16x128xf32>
    %select_n3A_231 = arith.select %eq3A_226, %roll3A_228, %roll3A_230 : vector<16x128xi1>, vector<16x128xf32>
    %and3A_232 = arith.constant 1 : i32
    %and3A_233 = vector.broadcast %and3A_232 : i32 to vector<16x128xi32>
    %and3A_234 = arith.andi %iota3A, %and3A_233 : vector<16x128xi32>
    %eq3A_235 = arith.constant 0 : i32
    %eq3A_236 = vector.broadcast %eq3A_235 : i32 to vector<16x128xi32>
    %eq3A_237 = arith.cmpi eq, %and3A_234, %eq3A_236 : vector<16x128xi32>
    %roll3A_238 = arith.constant 15 : i32
    %roll3A_239 = tpu.dynamic_rotate %select_n3A_231 by %roll3A_238 dim 0 : vector<16x128xf32>, i32 -> vector<16x128xf32>
    %roll3A_240 = arith.constant 1 : i32
    %roll3A_241 = tpu.dynamic_rotate %select_n3A_231 by %roll3A_240 dim 0 : vector<16x128xf32>, i32 -> vector<16x128xf32>
    %select_n3A_242 = arith.select %eq3A_237, %roll3A_239, %roll3A_241 : vector<16x128xi1>, vector<16x128xf32>
    %max3A_243 = arith.maximumf %select_n3A_187, %select_n3A_242 : vector<16x128xf32>
    %and3A_244 = arith.constant 8 : i32
    %and3A_245 = vector.broadcast %and3A_244 : i32 to vector<16x128xi32>
    %and3A_246 = arith.andi %iota3A, %and3A_245 : vector<16x128xi32>
    %eq3A_247 = arith.constant 0 : i32
    %eq3A_248 = vector.broadcast %eq3A_247 : i32 to vector<16x128xi32>
    %eq3A_249 = arith.cmpi eq, %and3A_246, %eq3A_248 : vector<16x128xi32>
    %roll3A_250 = arith.constant 8 : i32
    %roll3A_251 = tpu.dynamic_rotate %max3A_243 by %roll3A_250 dim 0 : vector<16x128xf32>, i32 -> vector<16x128xf32>
    %roll3A_252 = arith.constant 8 : i32
    %roll3A_253 = tpu.dynamic_rotate %max3A_243 by %roll3A_252 dim 0 : vector<16x128xf32>, i32 -> vector<16x128xf32>
    %select_n3A_254 = arith.select %eq3A_249, %roll3A_251, %roll3A_253 : vector<16x128xi1>, vector<16x128xf32>
    %and3A_255 = arith.constant 8 : i32
    %and3A_256 = vector.broadcast %and3A_255 : i32 to vector<16x128xi32>
    %and3A_257 = arith.andi %iota3A, %and3A_256 : vector<16x128xi32>
    %eq3A_258 = arith.constant 0 : i32
    %eq3A_259 = vector.broadcast %eq3A_258 : i32 to vector<16x128xi32>
    %eq3A_260 = arith.cmpi eq, %and3A_257, %eq3A_259 : vector<16x128xi32>
    %min3A_261 = arith.minimumf %max3A_243, %select_n3A_254 : vector<16x128xf32>
    %max3A_262 = arith.maximumf %max3A_243, %select_n3A_254 : vector<16x128xf32>
    %select_n3A_263 = arith.select %eq3A_260, %min3A_261, %max3A_262 : vector<16x128xi1>, vector<16x128xf32>
    %and3A_264 = arith.constant 4 : i32
    %and3A_265 = vector.broadcast %and3A_264 : i32 to vector<16x128xi32>
    %and3A_266 = arith.andi %iota3A, %and3A_265 : vector<16x128xi32>
    %eq3A_267 = arith.constant 0 : i32
    %eq3A_268 = vector.broadcast %eq3A_267 : i32 to vector<16x128xi32>
    %eq3A_269 = arith.cmpi eq, %and3A_266, %eq3A_268 : vector<16x128xi32>
    %roll3A_270 = arith.constant 12 : i32
    %roll3A_271 = tpu.dynamic_rotate %select_n3A_263 by %roll3A_270 dim 0 : vector<16x128xf32>, i32 -> vector<16x128xf32>
    %roll3A_272 = arith.constant 4 : i32
    %roll3A_273 = tpu.dynamic_rotate %select_n3A_263 by %roll3A_272 dim 0 : vector<16x128xf32>, i32 -> vector<16x128xf32>
    %select_n3A_274 = arith.select %eq3A_269, %roll3A_271, %roll3A_273 : vector<16x128xi1>, vector<16x128xf32>
    %and3A_275 = arith.constant 4 : i32
    %and3A_276 = vector.broadcast %and3A_275 : i32 to vector<16x128xi32>
    %and3A_277 = arith.andi %iota3A, %and3A_276 : vector<16x128xi32>
    %eq3A_278 = arith.constant 0 : i32
    %eq3A_279 = vector.broadcast %eq3A_278 : i32 to vector<16x128xi32>
    %eq3A_280 = arith.cmpi eq, %and3A_277, %eq3A_279 : vector<16x128xi32>
    %min3A_281 = arith.minimumf %select_n3A_263, %select_n3A_274 : vector<16x128xf32>
    %max3A_282 = arith.maximumf %select_n3A_263, %select_n3A_274 : vector<16x128xf32>
    %select_n3A_283 = arith.select %eq3A_280, %min3A_281, %max3A_282 : vector<16x128xi1>, vector<16x128xf32>
    %and3A_284 = arith.constant 2 : i32
    %and3A_285 = vector.broadcast %and3A_284 : i32 to vector<16x128xi32>
    %and3A_286 = arith.andi %iota3A, %and3A_285 : vector<16x128xi32>
    %eq3A_287 = arith.constant 0 : i32
    %eq3A_288 = vector.broadcast %eq3A_287 : i32 to vector<16x128xi32>
    %eq3A_289 = arith.cmpi eq, %and3A_286, %eq3A_288 : vector<16x128xi32>
    %roll3A_290 = arith.constant 14 : i32
    %roll3A_291 = tpu.dynamic_rotate %select_n3A_283 by %roll3A_290 dim 0 : vector<16x128xf32>, i32 -> vector<16x128xf32>
    %roll3A_292 = arith.constant 2 : i32
    %roll3A_293 = tpu.dynamic_rotate %select_n3A_283 by %roll3A_292 dim 0 : vector<16x128xf32>, i32 -> vector<16x128xf32>
    %select_n3A_294 = arith.select %eq3A_289, %roll3A_291, %roll3A_293 : vector<16x128xi1>, vector<16x128xf32>
    %and3A_295 = arith.constant 2 : i32
    %and3A_296 = vector.broadcast %and3A_295 : i32 to vector<16x128xi32>
    %and3A_297 = arith.andi %iota3A, %and3A_296 : vector<16x128xi32>
    %eq3A_298 = arith.constant 0 : i32
    %eq3A_299 = vector.broadcast %eq3A_298 : i32 to vector<16x128xi32>
    %eq3A_300 = arith.cmpi eq, %and3A_297, %eq3A_299 : vector<16x128xi32>
    %min3A_301 = arith.minimumf %select_n3A_283, %select_n3A_294 : vector<16x128xf32>
    %max3A_302 = arith.maximumf %select_n3A_283, %select_n3A_294 : vector<16x128xf32>
    %select_n3A_303 = arith.select %eq3A_300, %min3A_301, %max3A_302 : vector<16x128xi1>, vector<16x128xf32>
    %and3A_304 = arith.constant 1 : i32
    %and3A_305 = vector.broadcast %and3A_304 : i32 to vector<16x128xi32>
    %and3A_306 = arith.andi %iota3A, %and3A_305 : vector<16x128xi32>
    %eq3A_307 = arith.constant 0 : i32
    %eq3A_308 = vector.broadcast %eq3A_307 : i32 to vector<16x128xi32>
    %eq3A_309 = arith.cmpi eq, %and3A_306, %eq3A_308 : vector<16x128xi32>
    %roll3A_310 = arith.constant 15 : i32
    %roll3A_311 = tpu.dynamic_rotate %select_n3A_303 by %roll3A_310 dim 0 : vector<16x128xf32>, i32 -> vector<16x128xf32>
    %roll3A_312 = arith.constant 1 : i32
    %roll3A_313 = tpu.dynamic_rotate %select_n3A_303 by %roll3A_312 dim 0 : vector<16x128xf32>, i32 -> vector<16x128xf32>
    %select_n3A_314 = arith.select %eq3A_309, %roll3A_311, %roll3A_313 : vector<16x128xi1>, vector<16x128xf32>
    %and3A_315 = arith.constant 1 : i32
    %and3A_316 = vector.broadcast %and3A_315 : i32 to vector<16x128xi32>
    %and3A_317 = arith.andi %iota3A, %and3A_316 : vector<16x128xi32>
    %eq3A_318 = arith.constant 0 : i32
    %eq3A_319 = vector.broadcast %eq3A_318 : i32 to vector<16x128xi32>
    %eq3A_320 = arith.cmpi eq, %and3A_317, %eq3A_319 : vector<16x128xi32>
    %min3A_321 = arith.minimumf %select_n3A_303, %select_n3A_314 : vector<16x128xf32>
    %max3A_322 = arith.maximumf %select_n3A_303, %select_n3A_314 : vector<16x128xf32>
    %select_n3A_323 = arith.select %eq3A_320, %min3A_321, %max3A_322 : vector<16x128xi1>, vector<16x128xf32>
    %and3A_324 = arith.constant 4 : i32
    %and3A_325 = vector.broadcast %and3A_324 : i32 to vector<16x128xi32>
    %and3A_326 = arith.andi %iota3A_57, %and3A_325 : vector<16x128xi32>
    %eq3A_327 = arith.constant 0 : i32
    %eq3A_328 = vector.broadcast %eq3A_327 : i32 to vector<16x128xi32>
    %eq3A_329 = arith.cmpi eq, %and3A_326, %eq3A_328 : vector<16x128xi32>
    %roll3A_330 = arith.constant 124 : i32
    %roll3A_331 = tpu.dynamic_rotate %select_n3A_323 by %roll3A_330 dim 1 : vector<16x128xf32>, i32 -> vector<16x128xf32>
    %roll3A_332 = arith.constant 4 : i32
    %roll3A_333 = tpu.dynamic_rotate %select_n3A_323 by %roll3A_332 dim 1 : vector<16x128xf32>, i32 -> vector<16x128xf32>
    %select_n3A_334 = arith.select %eq3A_329, %roll3A_331, %roll3A_333 : vector<16x128xi1>, vector<16x128xf32>
    %and3A_335 = arith.constant 8 : i32
    %and3A_336 = vector.broadcast %and3A_335 : i32 to vector<16x128xi32>
    %and3A_337 = arith.andi %iota3A, %and3A_336 : vector<16x128xi32>
    %eq3A_338 = arith.constant 0 : i32
    %eq3A_339 = vector.broadcast %eq3A_338 : i32 to vector<16x128xi32>
    %eq3A_340 = arith.cmpi eq, %and3A_337, %eq3A_339 : vector<16x128xi32>
    %roll3A_341 = arith.constant 8 : i32
    %roll3A_342 = tpu.dynamic_rotate %select_n3A_334 by %roll3A_341 dim 0 : vector<16x128xf32>, i32 -> vector<16x128xf32>
    %roll3A_343 = arith.constant 8 : i32
    %roll3A_344 = tpu.dynamic_rotate %select_n3A_334 by %roll3A_343 dim 0 : vector<16x128xf32>, i32 -> vector<16x128xf32>
    %select_n3A_345 = arith.select %eq3A_340, %roll3A_342, %roll3A_344 : vector<16x128xi1>, vector<16x128xf32>
    %and3A_346 = arith.constant 4 : i32
    %and3A_347 = vector.broadcast %and3A_346 : i32 to vector<16x128xi32>
    %and3A_348 = arith.andi %iota3A, %and3A_347 : vector<16x128xi32>
    %eq3A_349 = arith.constant 0 : i32
    %eq3A_350 = vector.broadcast %eq3A_349 : i32 to vector<16x128xi32>
    %eq3A_351 = arith.cmpi eq, %and3A_348, %eq3A_350 : vector<16x128xi32>
    %roll3A_352 = arith.constant 12 : i32
    %roll3A_353 = tpu.dynamic_rotate %select_n3A_345 by %roll3A_352 dim 0 : vector<16x128xf32>, i32 -> vector<16x128xf32>
    %roll3A_354 = arith.constant 4 : i32
    %roll3A_355 = tpu.dynamic_rotate %select_n3A_345 by %roll3A_354 dim 0 : vector<16x128xf32>, i32 -> vector<16x128xf32>
    %select_n3A_356 = arith.select %eq3A_351, %roll3A_353, %roll3A_355 : vector<16x128xi1>, vector<16x128xf32>
    %and3A_357 = arith.constant 2 : i32
    %and3A_358 = vector.broadcast %and3A_357 : i32 to vector<16x128xi32>
    %and3A_359 = arith.andi %iota3A, %and3A_358 : vector<16x128xi32>
    %eq3A_360 = arith.constant 0 : i32
    %eq3A_361 = vector.broadcast %eq3A_360 : i32 to vector<16x128xi32>
    %eq3A_362 = arith.cmpi eq, %and3A_359, %eq3A_361 : vector<16x128xi32>
    %roll3A_363 = arith.constant 14 : i32
    %roll3A_364 = tpu.dynamic_rotate %select_n3A_356 by %roll3A_363 dim 0 : vector<16x128xf32>, i32 -> vector<16x128xf32>
    %roll3A_365 = arith.constant 2 : i32
    %roll3A_366 = tpu.dynamic_rotate %select_n3A_356 by %roll3A_365 dim 0 : vector<16x128xf32>, i32 -> vector<16x128xf32>
    %select_n3A_367 = arith.select %eq3A_362, %roll3A_364, %roll3A_366 : vector<16x128xi1>, vector<16x128xf32>
    %and3A_368 = arith.constant 1 : i32
    %and3A_369 = vector.broadcast %and3A_368 : i32 to vector<16x128xi32>
    %and3A_370 = arith.andi %iota3A, %and3A_369 : vector<16x128xi32>
    %eq3A_371 = arith.constant 0 : i32
    %eq3A_372 = vector.broadcast %eq3A_371 : i32 to vector<16x128xi32>
    %eq3A_373 = arith.cmpi eq, %and3A_370, %eq3A_372 : vector<16x128xi32>
    %roll3A_374 = arith.constant 15 : i32
    %roll3A_375 = tpu.dynamic_rotate %select_n3A_367 by %roll3A_374 dim 0 : vector<16x128xf32>, i32 -> vector<16x128xf32>
    %roll3A_376 = arith.constant 1 : i32
    %roll3A_377 = tpu.dynamic_rotate %select_n3A_367 by %roll3A_376 dim 0 : vector<16x128xf32>, i32 -> vector<16x128xf32>
    %select_n3A_378 = arith.select %eq3A_373, %roll3A_375, %roll3A_377 : vector<16x128xi1>, vector<16x128xf32>
    %max3A_379 = arith.maximumf %select_n3A_323, %select_n3A_378 : vector<16x128xf32>
    %and3A_380 = arith.constant 8 : i32
    %and3A_381 = vector.broadcast %and3A_380 : i32 to vector<16x128xi32>
    %and3A_382 = arith.andi %iota3A, %and3A_381 : vector<16x128xi32>
    %eq3A_383 = arith.constant 0 : i32
    %eq3A_384 = vector.broadcast %eq3A_383 : i32 to vector<16x128xi32>
    %eq3A_385 = arith.cmpi eq, %and3A_382, %eq3A_384 : vector<16x128xi32>
    %roll3A_386 = arith.constant 8 : i32
    %roll3A_387 = tpu.dynamic_rotate %max3A_379 by %roll3A_386 dim 0 : vector<16x128xf32>, i32 -> vector<16x128xf32>
    %roll3A_388 = arith.constant 8 : i32
    %roll3A_389 = tpu.dynamic_rotate %max3A_379 by %roll3A_388 dim 0 : vector<16x128xf32>, i32 -> vector<16x128xf32>
    %select_n3A_390 = arith.select %eq3A_385, %roll3A_387, %roll3A_389 : vector<16x128xi1>, vector<16x128xf32>
    %and3A_391 = arith.constant 8 : i32
    %and3A_392 = vector.broadcast %and3A_391 : i32 to vector<16x128xi32>
    %and3A_393 = arith.andi %iota3A, %and3A_392 : vector<16x128xi32>
    %eq3A_394 = arith.constant 0 : i32
    %eq3A_395 = vector.broadcast %eq3A_394 : i32 to vector<16x128xi32>
    %eq3A_396 = arith.cmpi eq, %and3A_393, %eq3A_395 : vector<16x128xi32>
    %min3A_397 = arith.minimumf %max3A_379, %select_n3A_390 : vector<16x128xf32>
    %max3A_398 = arith.maximumf %max3A_379, %select_n3A_390 : vector<16x128xf32>
    %select_n3A_399 = arith.select %eq3A_396, %min3A_397, %max3A_398 : vector<16x128xi1>, vector<16x128xf32>
    %and3A_400 = arith.constant 4 : i32
    %and3A_401 = vector.broadcast %and3A_400 : i32 to vector<16x128xi32>
    %and3A_402 = arith.andi %iota3A, %and3A_401 : vector<16x128xi32>
    %eq3A_403 = arith.constant 0 : i32
    %eq3A_404 = vector.broadcast %eq3A_403 : i32 to vector<16x128xi32>
    %eq3A_405 = arith.cmpi eq, %and3A_402, %eq3A_404 : vector<16x128xi32>
    %roll3A_406 = arith.constant 12 : i32
    %roll3A_407 = tpu.dynamic_rotate %select_n3A_399 by %roll3A_406 dim 0 : vector<16x128xf32>, i32 -> vector<16x128xf32>
    %roll3A_408 = arith.constant 4 : i32
    %roll3A_409 = tpu.dynamic_rotate %select_n3A_399 by %roll3A_408 dim 0 : vector<16x128xf32>, i32 -> vector<16x128xf32>
    %select_n3A_410 = arith.select %eq3A_405, %roll3A_407, %roll3A_409 : vector<16x128xi1>, vector<16x128xf32>
    %and3A_411 = arith.constant 4 : i32
    %and3A_412 = vector.broadcast %and3A_411 : i32 to vector<16x128xi32>
    %and3A_413 = arith.andi %iota3A, %and3A_412 : vector<16x128xi32>
    %eq3A_414 = arith.constant 0 : i32
    %eq3A_415 = vector.broadcast %eq3A_414 : i32 to vector<16x128xi32>
    %eq3A_416 = arith.cmpi eq, %and3A_413, %eq3A_415 : vector<16x128xi32>
    %min3A_417 = arith.minimumf %select_n3A_399, %select_n3A_410 : vector<16x128xf32>
    %max3A_418 = arith.maximumf %select_n3A_399, %select_n3A_410 : vector<16x128xf32>
    %select_n3A_419 = arith.select %eq3A_416, %min3A_417, %max3A_418 : vector<16x128xi1>, vector<16x128xf32>
    %and3A_420 = arith.constant 2 : i32
    %and3A_421 = vector.broadcast %and3A_420 : i32 to vector<16x128xi32>
    %and3A_422 = arith.andi %iota3A, %and3A_421 : vector<16x128xi32>
    %eq3A_423 = arith.constant 0 : i32
    %eq3A_424 = vector.broadcast %eq3A_423 : i32 to vector<16x128xi32>
    %eq3A_425 = arith.cmpi eq, %and3A_422, %eq3A_424 : vector<16x128xi32>
    %roll3A_426 = arith.constant 14 : i32
    %roll3A_427 = tpu.dynamic_rotate %select_n3A_419 by %roll3A_426 dim 0 : vector<16x128xf32>, i32 -> vector<16x128xf32>
    %roll3A_428 = arith.constant 2 : i32
    %roll3A_429 = tpu.dynamic_rotate %select_n3A_419 by %roll3A_428 dim 0 : vector<16x128xf32>, i32 -> vector<16x128xf32>
    %select_n3A_430 = arith.select %eq3A_425, %roll3A_427, %roll3A_429 : vector<16x128xi1>, vector<16x128xf32>
    %and3A_431 = arith.constant 2 : i32
    %and3A_432 = vector.broadcast %and3A_431 : i32 to vector<16x128xi32>
    %and3A_433 = arith.andi %iota3A, %and3A_432 : vector<16x128xi32>
    %eq3A_434 = arith.constant 0 : i32
    %eq3A_435 = vector.broadcast %eq3A_434 : i32 to vector<16x128xi32>
    %eq3A_436 = arith.cmpi eq, %and3A_433, %eq3A_435 : vector<16x128xi32>
    %min3A_437 = arith.minimumf %select_n3A_419, %select_n3A_430 : vector<16x128xf32>
    %max3A_438 = arith.maximumf %select_n3A_419, %select_n3A_430 : vector<16x128xf32>
    %select_n3A_439 = arith.select %eq3A_436, %min3A_437, %max3A_438 : vector<16x128xi1>, vector<16x128xf32>
    %and3A_440 = arith.constant 1 : i32
    %and3A_441 = vector.broadcast %and3A_440 : i32 to vector<16x128xi32>
    %and3A_442 = arith.andi %iota3A, %and3A_441 : vector<16x128xi32>
    %eq3A_443 = arith.constant 0 : i32
    %eq3A_444 = vector.broadcast %eq3A_443 : i32 to vector<16x128xi32>
    %eq3A_445 = arith.cmpi eq, %and3A_442, %eq3A_444 : vector<16x128xi32>
    %roll3A_446 = arith.constant 15 : i32
    %roll3A_447 = tpu.dynamic_rotate %select_n3A_439 by %roll3A_446 dim 0 : vector<16x128xf32>, i32 -> vector<16x128xf32>
    %roll3A_448 = arith.constant 1 : i32
    %roll3A_449 = tpu.dynamic_rotate %select_n3A_439 by %roll3A_448 dim 0 : vector<16x128xf32>, i32 -> vector<16x128xf32>
    %select_n3A_450 = arith.select %eq3A_445, %roll3A_447, %roll3A_449 : vector<16x128xi1>, vector<16x128xf32>
    %and3A_451 = arith.constant 1 : i32
    %and3A_452 = vector.broadcast %and3A_451 : i32 to vector<16x128xi32>
    %and3A_453 = arith.andi %iota3A, %and3A_452 : vector<16x128xi32>
    %eq3A_454 = arith.constant 0 : i32
    %eq3A_455 = vector.broadcast %eq3A_454 : i32 to vector<16x128xi32>
    %eq3A_456 = arith.cmpi eq, %and3A_453, %eq3A_455 : vector<16x128xi32>
    %min3A_457 = arith.minimumf %select_n3A_439, %select_n3A_450 : vector<16x128xf32>
    %max3A_458 = arith.maximumf %select_n3A_439, %select_n3A_450 : vector<16x128xf32>
    %select_n3A_459 = arith.select %eq3A_456, %min3A_457, %max3A_458 : vector<16x128xi1>, vector<16x128xf32>
    %and3A_460 = arith.constant 8 : i32
    %and3A_461 = vector.broadcast %and3A_460 : i32 to vector<16x128xi32>
    %and3A_462 = arith.andi %iota3A_57, %and3A_461 : vector<16x128xi32>
    %eq3A_463 = arith.constant 0 : i32
    %eq3A_464 = vector.broadcast %eq3A_463 : i32 to vector<16x128xi32>
    %eq3A_465 = arith.cmpi eq, %and3A_462, %eq3A_464 : vector<16x128xi32>
    %roll3A_466 = arith.constant 120 : i32
    %roll3A_467 = tpu.dynamic_rotate %select_n3A_459 by %roll3A_466 dim 1 : vector<16x128xf32>, i32 -> vector<16x128xf32>
    %roll3A_468 = arith.constant 8 : i32
    %roll3A_469 = tpu.dynamic_rotate %select_n3A_459 by %roll3A_468 dim 1 : vector<16x128xf32>, i32 -> vector<16x128xf32>
    %select_n3A_470 = arith.select %eq3A_465, %roll3A_467, %roll3A_469 : vector<16x128xi1>, vector<16x128xf32>
    %and3A_471 = arith.constant 8 : i32
    %and3A_472 = vector.broadcast %and3A_471 : i32 to vector<16x128xi32>
    %and3A_473 = arith.andi %iota3A, %and3A_472 : vector<16x128xi32>
    %eq3A_474 = arith.constant 0 : i32
    %eq3A_475 = vector.broadcast %eq3A_474 : i32 to vector<16x128xi32>
    %eq3A_476 = arith.cmpi eq, %and3A_473, %eq3A_475 : vector<16x128xi32>
    %roll3A_477 = arith.constant 8 : i32
    %roll3A_478 = tpu.dynamic_rotate %select_n3A_470 by %roll3A_477 dim 0 : vector<16x128xf32>, i32 -> vector<16x128xf32>
    %roll3A_479 = arith.constant 8 : i32
    %roll3A_480 = tpu.dynamic_rotate %select_n3A_470 by %roll3A_479 dim 0 : vector<16x128xf32>, i32 -> vector<16x128xf32>
    %select_n3A_481 = arith.select %eq3A_476, %roll3A_478, %roll3A_480 : vector<16x128xi1>, vector<16x128xf32>
    %and3A_482 = arith.constant 4 : i32
    %and3A_483 = vector.broadcast %and3A_482 : i32 to vector<16x128xi32>
    %and3A_484 = arith.andi %iota3A, %and3A_483 : vector<16x128xi32>
    %eq3A_485 = arith.constant 0 : i32
    %eq3A_486 = vector.broadcast %eq3A_485 : i32 to vector<16x128xi32>
    %eq3A_487 = arith.cmpi eq, %and3A_484, %eq3A_486 : vector<16x128xi32>
    %roll3A_488 = arith.constant 12 : i32
    %roll3A_489 = tpu.dynamic_rotate %select_n3A_481 by %roll3A_488 dim 0 : vector<16x128xf32>, i32 -> vector<16x128xf32>
    %roll3A_490 = arith.constant 4 : i32
    %roll3A_491 = tpu.dynamic_rotate %select_n3A_481 by %roll3A_490 dim 0 : vector<16x128xf32>, i32 -> vector<16x128xf32>
    %select_n3A_492 = arith.select %eq3A_487, %roll3A_489, %roll3A_491 : vector<16x128xi1>, vector<16x128xf32>
    %and3A_493 = arith.constant 2 : i32
    %and3A_494 = vector.broadcast %and3A_493 : i32 to vector<16x128xi32>
    %and3A_495 = arith.andi %iota3A, %and3A_494 : vector<16x128xi32>
    %eq3A_496 = arith.constant 0 : i32
    %eq3A_497 = vector.broadcast %eq3A_496 : i32 to vector<16x128xi32>
    %eq3A_498 = arith.cmpi eq, %and3A_495, %eq3A_497 : vector<16x128xi32>
    %roll3A_499 = arith.constant 14 : i32
    %roll3A_500 = tpu.dynamic_rotate %select_n3A_492 by %roll3A_499 dim 0 : vector<16x128xf32>, i32 -> vector<16x128xf32>
    %roll3A_501 = arith.constant 2 : i32
    %roll3A_502 = tpu.dynamic_rotate %select_n3A_492 by %roll3A_501 dim 0 : vector<16x128xf32>, i32 -> vector<16x128xf32>
    %select_n3A_503 = arith.select %eq3A_498, %roll3A_500, %roll3A_502 : vector<16x128xi1>, vector<16x128xf32>
    %and3A_504 = arith.constant 1 : i32
    %and3A_505 = vector.broadcast %and3A_504 : i32 to vector<16x128xi32>
    %and3A_506 = arith.andi %iota3A, %and3A_505 : vector<16x128xi32>
    %eq3A_507 = arith.constant 0 : i32
    %eq3A_508 = vector.broadcast %eq3A_507 : i32 to vector<16x128xi32>
    %eq3A_509 = arith.cmpi eq, %and3A_506, %eq3A_508 : vector<16x128xi32>
    %roll3A_510 = arith.constant 15 : i32
    %roll3A_511 = tpu.dynamic_rotate %select_n3A_503 by %roll3A_510 dim 0 : vector<16x128xf32>, i32 -> vector<16x128xf32>
    %roll3A_512 = arith.constant 1 : i32
    %roll3A_513 = tpu.dynamic_rotate %select_n3A_503 by %roll3A_512 dim 0 : vector<16x128xf32>, i32 -> vector<16x128xf32>
    %select_n3A_514 = arith.select %eq3A_509, %roll3A_511, %roll3A_513 : vector<16x128xi1>, vector<16x128xf32>
    %max3A_515 = arith.maximumf %select_n3A_459, %select_n3A_514 : vector<16x128xf32>
    %and3A_516 = arith.constant 8 : i32
    %and3A_517 = vector.broadcast %and3A_516 : i32 to vector<16x128xi32>
    %and3A_518 = arith.andi %iota3A, %and3A_517 : vector<16x128xi32>
    %eq3A_519 = arith.constant 0 : i32
    %eq3A_520 = vector.broadcast %eq3A_519 : i32 to vector<16x128xi32>
    %eq3A_521 = arith.cmpi eq, %and3A_518, %eq3A_520 : vector<16x128xi32>
    %roll3A_522 = arith.constant 8 : i32
    %roll3A_523 = tpu.dynamic_rotate %max3A_515 by %roll3A_522 dim 0 : vector<16x128xf32>, i32 -> vector<16x128xf32>
    %roll3A_524 = arith.constant 8 : i32
    %roll3A_525 = tpu.dynamic_rotate %max3A_515 by %roll3A_524 dim 0 : vector<16x128xf32>, i32 -> vector<16x128xf32>
    %select_n3A_526 = arith.select %eq3A_521, %roll3A_523, %roll3A_525 : vector<16x128xi1>, vector<16x128xf32>
    %and3A_527 = arith.constant 8 : i32
    %and3A_528 = vector.broadcast %and3A_527 : i32 to vector<16x128xi32>
    %and3A_529 = arith.andi %iota3A, %and3A_528 : vector<16x128xi32>
    %eq3A_530 = arith.constant 0 : i32
    %eq3A_531 = vector.broadcast %eq3A_530 : i32 to vector<16x128xi32>
    %eq3A_532 = arith.cmpi eq, %and3A_529, %eq3A_531 : vector<16x128xi32>
    %min3A_533 = arith.minimumf %max3A_515, %select_n3A_526 : vector<16x128xf32>
    %max3A_534 = arith.maximumf %max3A_515, %select_n3A_526 : vector<16x128xf32>
    %select_n3A_535 = arith.select %eq3A_532, %min3A_533, %max3A_534 : vector<16x128xi1>, vector<16x128xf32>
    %and3A_536 = arith.constant 4 : i32
    %and3A_537 = vector.broadcast %and3A_536 : i32 to vector<16x128xi32>
    %and3A_538 = arith.andi %iota3A, %and3A_537 : vector<16x128xi32>
    %eq3A_539 = arith.constant 0 : i32
    %eq3A_540 = vector.broadcast %eq3A_539 : i32 to vector<16x128xi32>
    %eq3A_541 = arith.cmpi eq, %and3A_538, %eq3A_540 : vector<16x128xi32>
    %roll3A_542 = arith.constant 12 : i32
    %roll3A_543 = tpu.dynamic_rotate %select_n3A_535 by %roll3A_542 dim 0 : vector<16x128xf32>, i32 -> vector<16x128xf32>
    %roll3A_544 = arith.constant 4 : i32
    %roll3A_545 = tpu.dynamic_rotate %select_n3A_535 by %roll3A_544 dim 0 : vector<16x128xf32>, i32 -> vector<16x128xf32>
    %select_n3A_546 = arith.select %eq3A_541, %roll3A_543, %roll3A_545 : vector<16x128xi1>, vector<16x128xf32>
    %and3A_547 = arith.constant 4 : i32
    %and3A_548 = vector.broadcast %and3A_547 : i32 to vector<16x128xi32>
    %and3A_549 = arith.andi %iota3A, %and3A_548 : vector<16x128xi32>
    %eq3A_550 = arith.constant 0 : i32
    %eq3A_551 = vector.broadcast %eq3A_550 : i32 to vector<16x128xi32>
    %eq3A_552 = arith.cmpi eq, %and3A_549, %eq3A_551 : vector<16x128xi32>
    %min3A_553 = arith.minimumf %select_n3A_535, %select_n3A_546 : vector<16x128xf32>
    %max3A_554 = arith.maximumf %select_n3A_535, %select_n3A_546 : vector<16x128xf32>
    %select_n3A_555 = arith.select %eq3A_552, %min3A_553, %max3A_554 : vector<16x128xi1>, vector<16x128xf32>
    %and3A_556 = arith.constant 2 : i32
    %and3A_557 = vector.broadcast %and3A_556 : i32 to vector<16x128xi32>
    %and3A_558 = arith.andi %iota3A, %and3A_557 : vector<16x128xi32>
    %eq3A_559 = arith.constant 0 : i32
    %eq3A_560 = vector.broadcast %eq3A_559 : i32 to vector<16x128xi32>
    %eq3A_561 = arith.cmpi eq, %and3A_558, %eq3A_560 : vector<16x128xi32>
    %roll3A_562 = arith.constant 14 : i32
    %roll3A_563 = tpu.dynamic_rotate %select_n3A_555 by %roll3A_562 dim 0 : vector<16x128xf32>, i32 -> vector<16x128xf32>
    %roll3A_564 = arith.constant 2 : i32
    %roll3A_565 = tpu.dynamic_rotate %select_n3A_555 by %roll3A_564 dim 0 : vector<16x128xf32>, i32 -> vector<16x128xf32>
    %select_n3A_566 = arith.select %eq3A_561, %roll3A_563, %roll3A_565 : vector<16x128xi1>, vector<16x128xf32>
    %and3A_567 = arith.constant 2 : i32
    %and3A_568 = vector.broadcast %and3A_567 : i32 to vector<16x128xi32>
    %and3A_569 = arith.andi %iota3A, %and3A_568 : vector<16x128xi32>
    %eq3A_570 = arith.constant 0 : i32
    %eq3A_571 = vector.broadcast %eq3A_570 : i32 to vector<16x128xi32>
    %eq3A_572 = arith.cmpi eq, %and3A_569, %eq3A_571 : vector<16x128xi32>
    %min3A_573 = arith.minimumf %select_n3A_555, %select_n3A_566 : vector<16x128xf32>
    %max3A_574 = arith.maximumf %select_n3A_555, %select_n3A_566 : vector<16x128xf32>
    %select_n3A_575 = arith.select %eq3A_572, %min3A_573, %max3A_574 : vector<16x128xi1>, vector<16x128xf32>
    %and3A_576 = arith.constant 1 : i32
    %and3A_577 = vector.broadcast %and3A_576 : i32 to vector<16x128xi32>
    %and3A_578 = arith.andi %iota3A, %and3A_577 : vector<16x128xi32>
    %eq3A_579 = arith.constant 0 : i32
    %eq3A_580 = vector.broadcast %eq3A_579 : i32 to vector<16x128xi32>
    %eq3A_581 = arith.cmpi eq, %and3A_578, %eq3A_580 : vector<16x128xi32>
    %roll3A_582 = arith.constant 15 : i32
    %roll3A_583 = tpu.dynamic_rotate %select_n3A_575 by %roll3A_582 dim 0 : vector<16x128xf32>, i32 -> vector<16x128xf32>
    %roll3A_584 = arith.constant 1 : i32
    %roll3A_585 = tpu.dynamic_rotate %select_n3A_575 by %roll3A_584 dim 0 : vector<16x128xf32>, i32 -> vector<16x128xf32>
    %select_n3A_586 = arith.select %eq3A_581, %roll3A_583, %roll3A_585 : vector<16x128xi1>, vector<16x128xf32>
    %and3A_587 = arith.constant 1 : i32
    %and3A_588 = vector.broadcast %and3A_587 : i32 to vector<16x128xi32>
    %and3A_589 = arith.andi %iota3A, %and3A_588 : vector<16x128xi32>
    %eq3A_590 = arith.constant 0 : i32
    %eq3A_591 = vector.broadcast %eq3A_590 : i32 to vector<16x128xi32>
    %eq3A_592 = arith.cmpi eq, %and3A_589, %eq3A_591 : vector<16x128xi32>
    %min3A_593 = arith.minimumf %select_n3A_575, %select_n3A_586 : vector<16x128xf32>
    %max3A_594 = arith.maximumf %select_n3A_575, %select_n3A_586 : vector<16x128xf32>
    %select_n3A_595 = arith.select %eq3A_592, %min3A_593, %max3A_594 : vector<16x128xi1>, vector<16x128xf32>
    %and3A_596 = arith.constant 16 : i32
    %and3A_597 = vector.broadcast %and3A_596 : i32 to vector<16x128xi32>
    %and3A_598 = arith.andi %iota3A_57, %and3A_597 : vector<16x128xi32>
    %eq3A_599 = arith.constant 0 : i32
    %eq3A_600 = vector.broadcast %eq3A_599 : i32 to vector<16x128xi32>
    %eq3A_601 = arith.cmpi eq, %and3A_598, %eq3A_600 : vector<16x128xi32>
    %roll3A_602 = arith.constant 112 : i32
    %roll3A_603 = tpu.dynamic_rotate %select_n3A_595 by %roll3A_602 dim 1 : vector<16x128xf32>, i32 -> vector<16x128xf32>
    %roll3A_604 = arith.constant 16 : i32
    %roll3A_605 = tpu.dynamic_rotate %select_n3A_595 by %roll3A_604 dim 1 : vector<16x128xf32>, i32 -> vector<16x128xf32>
    %select_n3A_606 = arith.select %eq3A_601, %roll3A_603, %roll3A_605 : vector<16x128xi1>, vector<16x128xf32>
    %and3A_607 = arith.constant 8 : i32
    %and3A_608 = vector.broadcast %and3A_607 : i32 to vector<16x128xi32>
    %and3A_609 = arith.andi %iota3A, %and3A_608 : vector<16x128xi32>
    %eq3A_610 = arith.constant 0 : i32
    %eq3A_611 = vector.broadcast %eq3A_610 : i32 to vector<16x128xi32>
    %eq3A_612 = arith.cmpi eq, %and3A_609, %eq3A_611 : vector<16x128xi32>
    %roll3A_613 = arith.constant 8 : i32
    %roll3A_614 = tpu.dynamic_rotate %select_n3A_606 by %roll3A_613 dim 0 : vector<16x128xf32>, i32 -> vector<16x128xf32>
    %roll3A_615 = arith.constant 8 : i32
    %roll3A_616 = tpu.dynamic_rotate %select_n3A_606 by %roll3A_615 dim 0 : vector<16x128xf32>, i32 -> vector<16x128xf32>
    %select_n3A_617 = arith.select %eq3A_612, %roll3A_614, %roll3A_616 : vector<16x128xi1>, vector<16x128xf32>
    %and3A_618 = arith.constant 4 : i32
    %and3A_619 = vector.broadcast %and3A_618 : i32 to vector<16x128xi32>
    %and3A_620 = arith.andi %iota3A, %and3A_619 : vector<16x128xi32>
    %eq3A_621 = arith.constant 0 : i32
    %eq3A_622 = vector.broadcast %eq3A_621 : i32 to vector<16x128xi32>
    %eq3A_623 = arith.cmpi eq, %and3A_620, %eq3A_622 : vector<16x128xi32>
    %roll3A_624 = arith.constant 12 : i32
    %roll3A_625 = tpu.dynamic_rotate %select_n3A_617 by %roll3A_624 dim 0 : vector<16x128xf32>, i32 -> vector<16x128xf32>
    %roll3A_626 = arith.constant 4 : i32
    %roll3A_627 = tpu.dynamic_rotate %select_n3A_617 by %roll3A_626 dim 0 : vector<16x128xf32>, i32 -> vector<16x128xf32>
    %select_n3A_628 = arith.select %eq3A_623, %roll3A_625, %roll3A_627 : vector<16x128xi1>, vector<16x128xf32>
    %and3A_629 = arith.constant 2 : i32
    %and3A_630 = vector.broadcast %and3A_629 : i32 to vector<16x128xi32>
    %and3A_631 = arith.andi %iota3A, %and3A_630 : vector<16x128xi32>
    %eq3A_632 = arith.constant 0 : i32
    %eq3A_633 = vector.broadcast %eq3A_632 : i32 to vector<16x128xi32>
    %eq3A_634 = arith.cmpi eq, %and3A_631, %eq3A_633 : vector<16x128xi32>
    %roll3A_635 = arith.constant 14 : i32
    %roll3A_636 = tpu.dynamic_rotate %select_n3A_628 by %roll3A_635 dim 0 : vector<16x128xf32>, i32 -> vector<16x128xf32>
    %roll3A_637 = arith.constant 2 : i32
    %roll3A_638 = tpu.dynamic_rotate %select_n3A_628 by %roll3A_637 dim 0 : vector<16x128xf32>, i32 -> vector<16x128xf32>
    %select_n3A_639 = arith.select %eq3A_634, %roll3A_636, %roll3A_638 : vector<16x128xi1>, vector<16x128xf32>
    %and3A_640 = arith.constant 1 : i32
    %and3A_641 = vector.broadcast %and3A_640 : i32 to vector<16x128xi32>
    %and3A_642 = arith.andi %iota3A, %and3A_641 : vector<16x128xi32>
    %eq3A_643 = arith.constant 0 : i32
    %eq3A_644 = vector.broadcast %eq3A_643 : i32 to vector<16x128xi32>
    %eq3A_645 = arith.cmpi eq, %and3A_642, %eq3A_644 : vector<16x128xi32>
    %roll3A_646 = arith.constant 15 : i32
    %roll3A_647 = tpu.dynamic_rotate %select_n3A_639 by %roll3A_646 dim 0 : vector<16x128xf32>, i32 -> vector<16x128xf32>
    %roll3A_648 = arith.constant 1 : i32
    %roll3A_649 = tpu.dynamic_rotate %select_n3A_639 by %roll3A_648 dim 0 : vector<16x128xf32>, i32 -> vector<16x128xf32>
    %select_n3A_650 = arith.select %eq3A_645, %roll3A_647, %roll3A_649 : vector<16x128xi1>, vector<16x128xf32>
    %max3A_651 = arith.maximumf %select_n3A_595, %select_n3A_650 : vector<16x128xf32>
    %and3A_652 = arith.constant 8 : i32
    %and3A_653 = vector.broadcast %and3A_652 : i32 to vector<16x128xi32>
    %and3A_654 = arith.andi %iota3A, %and3A_653 : vector<16x128xi32>
    %eq3A_655 = arith.constant 0 : i32
    %eq3A_656 = vector.broadcast %eq3A_655 : i32 to vector<16x128xi32>
    %eq3A_657 = arith.cmpi eq, %and3A_654, %eq3A_656 : vector<16x128xi32>
    %roll3A_658 = arith.constant 8 : i32
    %roll3A_659 = tpu.dynamic_rotate %max3A_651 by %roll3A_658 dim 0 : vector<16x128xf32>, i32 -> vector<16x128xf32>
    %roll3A_660 = arith.constant 8 : i32
    %roll3A_661 = tpu.dynamic_rotate %max3A_651 by %roll3A_660 dim 0 : vector<16x128xf32>, i32 -> vector<16x128xf32>
    %select_n3A_662 = arith.select %eq3A_657, %roll3A_659, %roll3A_661 : vector<16x128xi1>, vector<16x128xf32>
    %and3A_663 = arith.constant 8 : i32
    %and3A_664 = vector.broadcast %and3A_663 : i32 to vector<16x128xi32>
    %and3A_665 = arith.andi %iota3A, %and3A_664 : vector<16x128xi32>
    %eq3A_666 = arith.constant 0 : i32
    %eq3A_667 = vector.broadcast %eq3A_666 : i32 to vector<16x128xi32>
    %eq3A_668 = arith.cmpi eq, %and3A_665, %eq3A_667 : vector<16x128xi32>
    %min3A_669 = arith.minimumf %max3A_651, %select_n3A_662 : vector<16x128xf32>
    %max3A_670 = arith.maximumf %max3A_651, %select_n3A_662 : vector<16x128xf32>
    %select_n3A_671 = arith.select %eq3A_668, %min3A_669, %max3A_670 : vector<16x128xi1>, vector<16x128xf32>
    %and3A_672 = arith.constant 4 : i32
    %and3A_673 = vector.broadcast %and3A_672 : i32 to vector<16x128xi32>
    %and3A_674 = arith.andi %iota3A, %and3A_673 : vector<16x128xi32>
    %eq3A_675 = arith.constant 0 : i32
    %eq3A_676 = vector.broadcast %eq3A_675 : i32 to vector<16x128xi32>
    %eq3A_677 = arith.cmpi eq, %and3A_674, %eq3A_676 : vector<16x128xi32>
    %roll3A_678 = arith.constant 12 : i32
    %roll3A_679 = tpu.dynamic_rotate %select_n3A_671 by %roll3A_678 dim 0 : vector<16x128xf32>, i32 -> vector<16x128xf32>
    %roll3A_680 = arith.constant 4 : i32
    %roll3A_681 = tpu.dynamic_rotate %select_n3A_671 by %roll3A_680 dim 0 : vector<16x128xf32>, i32 -> vector<16x128xf32>
    %select_n3A_682 = arith.select %eq3A_677, %roll3A_679, %roll3A_681 : vector<16x128xi1>, vector<16x128xf32>
    %and3A_683 = arith.constant 4 : i32
    %and3A_684 = vector.broadcast %and3A_683 : i32 to vector<16x128xi32>
    %and3A_685 = arith.andi %iota3A, %and3A_684 : vector<16x128xi32>
    %eq3A_686 = arith.constant 0 : i32
    %eq3A_687 = vector.broadcast %eq3A_686 : i32 to vector<16x128xi32>
    %eq3A_688 = arith.cmpi eq, %and3A_685, %eq3A_687 : vector<16x128xi32>
    %min3A_689 = arith.minimumf %select_n3A_671, %select_n3A_682 : vector<16x128xf32>
    %max3A_690 = arith.maximumf %select_n3A_671, %select_n3A_682 : vector<16x128xf32>
    %select_n3A_691 = arith.select %eq3A_688, %min3A_689, %max3A_690 : vector<16x128xi1>, vector<16x128xf32>
    %and3A_692 = arith.constant 2 : i32
    %and3A_693 = vector.broadcast %and3A_692 : i32 to vector<16x128xi32>
    %and3A_694 = arith.andi %iota3A, %and3A_693 : vector<16x128xi32>
    %eq3A_695 = arith.constant 0 : i32
    %eq3A_696 = vector.broadcast %eq3A_695 : i32 to vector<16x128xi32>
    %eq3A_697 = arith.cmpi eq, %and3A_694, %eq3A_696 : vector<16x128xi32>
    %roll3A_698 = arith.constant 14 : i32
    %roll3A_699 = tpu.dynamic_rotate %select_n3A_691 by %roll3A_698 dim 0 : vector<16x128xf32>, i32 -> vector<16x128xf32>
    %roll3A_700 = arith.constant 2 : i32
    %roll3A_701 = tpu.dynamic_rotate %select_n3A_691 by %roll3A_700 dim 0 : vector<16x128xf32>, i32 -> vector<16x128xf32>
    %select_n3A_702 = arith.select %eq3A_697, %roll3A_699, %roll3A_701 : vector<16x128xi1>, vector<16x128xf32>
    %and3A_703 = arith.constant 2 : i32
    %and3A_704 = vector.broadcast %and3A_703 : i32 to vector<16x128xi32>
    %and3A_705 = arith.andi %iota3A, %and3A_704 : vector<16x128xi32>
    %eq3A_706 = arith.constant 0 : i32
    %eq3A_707 = vector.broadcast %eq3A_706 : i32 to vector<16x128xi32>
    %eq3A_708 = arith.cmpi eq, %and3A_705, %eq3A_707 : vector<16x128xi32>
    %min3A_709 = arith.minimumf %select_n3A_691, %select_n3A_702 : vector<16x128xf32>
    %max3A_710 = arith.maximumf %select_n3A_691, %select_n3A_702 : vector<16x128xf32>
    %select_n3A_711 = arith.select %eq3A_708, %min3A_709, %max3A_710 : vector<16x128xi1>, vector<16x128xf32>
    %and3A_712 = arith.constant 1 : i32
    %and3A_713 = vector.broadcast %and3A_712 : i32 to vector<16x128xi32>
    %and3A_714 = arith.andi %iota3A, %and3A_713 : vector<16x128xi32>
    %eq3A_715 = arith.constant 0 : i32
    %eq3A_716 = vector.broadcast %eq3A_715 : i32 to vector<16x128xi32>
    %eq3A_717 = arith.cmpi eq, %and3A_714, %eq3A_716 : vector<16x128xi32>
    %roll3A_718 = arith.constant 15 : i32
    %roll3A_719 = tpu.dynamic_rotate %select_n3A_711 by %roll3A_718 dim 0 : vector<16x128xf32>, i32 -> vector<16x128xf32>
    %roll3A_720 = arith.constant 1 : i32
    %roll3A_721 = tpu.dynamic_rotate %select_n3A_711 by %roll3A_720 dim 0 : vector<16x128xf32>, i32 -> vector<16x128xf32>
    %select_n3A_722 = arith.select %eq3A_717, %roll3A_719, %roll3A_721 : vector<16x128xi1>, vector<16x128xf32>
    %and3A_723 = arith.constant 1 : i32
    %and3A_724 = vector.broadcast %and3A_723 : i32 to vector<16x128xi32>
    %and3A_725 = arith.andi %iota3A, %and3A_724 : vector<16x128xi32>
    %eq3A_726 = arith.constant 0 : i32
    %eq3A_727 = vector.broadcast %eq3A_726 : i32 to vector<16x128xi32>
    %eq3A_728 = arith.cmpi eq, %and3A_725, %eq3A_727 : vector<16x128xi32>
    %min3A_729 = arith.minimumf %select_n3A_711, %select_n3A_722 : vector<16x128xf32>
    %max3A_730 = arith.maximumf %select_n3A_711, %select_n3A_722 : vector<16x128xf32>
    %select_n3A_731 = arith.select %eq3A_728, %min3A_729, %max3A_730 : vector<16x128xi1>, vector<16x128xf32>
    %gt3A = arith.constant 0xFF800000 : f32
    %gt3A_732 = vector.broadcast %gt3A : f32 to vector<16x128xf32>
    %gt3A_733 = arith.cmpf ogt, %select_n3A_731, %gt3A_732 : vector<16x128xf32>
    %eq3A_734 = arith.constant 0 : i32
    %eq3A_735 = vector.broadcast %eq3A_734 : i32 to vector<16x128xi32>
    %eq3A_736 = arith.cmpi eq, %iota3A_57, %eq3A_735 : vector<16x128xi32>
    %and3A_737 = arith.andi %gt3A_733, %eq3A_736 : vector<16x128xi1>
    %ge3A = arith.constant 0.000000e+00 : f32
    %ge3A_738 = vector.broadcast %ge3A : f32 to vector<16x128xf32>
    %ge3A_739 = arith.cmpf oge, %select_n3A_731, %ge3A_738 : vector<16x128xf32>
    %neg3A = arith.constant 0.000000e+00 : f32
    %neg3A_740 = vector.broadcast %neg3A : f32 to vector<16x128xf32>
    %neg3A_741 = arith.subf %neg3A_740, %select_n3A_731 : vector<16x128xf32>
    %exp3A = math.exp %neg3A_741 : vector<16x128xf32>
    %add3A = arith.constant 1.000000e+00 : f32
    %add3A_742 = vector.broadcast %add3A : f32 to vector<16x128xf32>
    %add3A_743 = arith.addf %add3A_742, %exp3A : vector<16x128xf32>
    %div3A = arith.constant 1.000000e+00 : f32
    %div3A_744 = vector.broadcast %div3A : f32 to vector<16x128xf32>
    %div3A_745 = arith.divf %div3A_744, %add3A_743 : vector<16x128xf32>
    %exp3A_746 = math.exp %select_n3A_731 : vector<16x128xf32>
    %exp3A_747 = math.exp %select_n3A_731 : vector<16x128xf32>
    %add3A_748 = arith.constant 1.000000e+00 : f32
    %add3A_749 = vector.broadcast %add3A_748 : f32 to vector<16x128xf32>
    %add3A_750 = arith.addf %add3A_749, %exp3A_747 : vector<16x128xf32>
    %div3A_751 = arith.divf %exp3A_746, %add3A_750 : vector<16x128xf32>
    %select_n3A_752 = arith.select %ge3A_739, %div3A_745, %div3A_751 : vector<16x128xi1>, vector<16x128xf32>
    %sub3A = arith.constant 1.000000e+00 : f32
    %sub3A_753 = vector.broadcast %sub3A : f32 to vector<16x128xf32>
    %sub3A_754 = arith.subf %sub3A_753, %select_n3A_752 : vector<16x128xf32>
    %sub3A_755 = arith.constant 1.000000e+00 : f32
    %sub3A_756 = vector.broadcast %sub3A_755 : f32 to vector<16x128xf32>
    %sub3A_757 = arith.subf %sub3A_756, %sub3A_754 : vector<16x128xf32>
    %integer_pow3A = arith.mulf %sub3A_757, %sub3A_757 : vector<16x128xf32>
    %neg3A_758 = arith.constant 0.000000e+00 : f32
    %neg3A_759 = vector.broadcast %neg3A_758 : f32 to vector<16x128xf32>
    %neg3A_760 = arith.subf %neg3A_759, %integer_pow3A : vector<16x128xf32>
    %log3A = math.log %sub3A_754 : vector<16x128xf32>
    %mul3A = arith.constant 5.000000e-01 : f32
    %mul3A_761 = vector.broadcast %mul3A : f32 to vector<16x128xf32>
    %mul3A_762 = arith.mulf %mul3A_761, %log3A : vector<16x128xf32>
    %mul3A_763 = arith.mulf %neg3A_760, %mul3A_762 : vector<16x128xf32>
    %jit3A = arith.constant 0.000000e+00 : f32
    %broadcast_in_dim3A = vector.broadcast %jit3A : f32 to vector<16x128xf32>
    %select_n3A_764 = arith.select %and3A_737, %mul3A_763, %broadcast_in_dim3A : vector<16x128xi1>, vector<16x128xf32>
    %reduce_sum3A_765 = vector.shape_cast %select_n3A_764 : vector<16x128xf32> to vector<1x16x128xf32>
    %reduce_sum3A_766 = arith.constant dense<0.000000e+00> : vector<1xf32>
    %reduce_sum3A_767 = vector.multi_reduction <add>, %reduce_sum3A_765, %reduce_sum3A_766 [1, 2] : vector<1x16x128xf32> to vector<1xf32>
    %reduce_sum3A_768 = vector.shape_cast %reduce_sum3A_767 : vector<1xf32> to vector<1x1x1xf32>
    %reduce_sum3A_769 = vector.extract %reduce_sum3A_768[0, 0, 0] : f32 from vector<1x1x1xf32>
    %lt3A = arith.constant 5.000000e-01 : f32
    %lt3A_770 = vector.broadcast %lt3A : f32 to vector<16x128xf32>
    %lt3A_771 = arith.cmpf olt, %select_n3A_752, %lt3A_770 : vector<16x128xf32>
    %and3A_772 = arith.andi %and3A_737, %lt3A_771 : vector<16x128xi1>
    %jit3A_773 = arith.constant 1.000000e+00 : f32
    %jit3A_774 = arith.constant 0.000000e+00 : f32
    %broadcast_in_dim3A_775 = vector.broadcast %jit3A_773 : f32 to vector<16x128xf32>
    %broadcast_in_dim3A_776 = vector.broadcast %jit3A_774 : f32 to vector<16x128xf32>
    %select_n3A_777 = arith.select %and3A_772, %broadcast_in_dim3A_775, %broadcast_in_dim3A_776 : vector<16x128xi1>, vector<16x128xf32>
    %reduce_sum3A_778 = vector.shape_cast %select_n3A_777 : vector<16x128xf32> to vector<1x16x128xf32>
    %reduce_sum3A_779 = arith.constant dense<0.000000e+00> : vector<1xf32>
    %reduce_sum3A_780 = vector.multi_reduction <add>, %reduce_sum3A_778, %reduce_sum3A_779 [1, 2] : vector<1x16x128xf32> to vector<1xf32>
    %reduce_sum3A_781 = vector.shape_cast %reduce_sum3A_780 : vector<1xf32> to vector<1x1x1xf32>
    %reduce_sum3A_782 = vector.extract %reduce_sum3A_781[0, 0, 0] : f32 from vector<1x1x1xf32>
    %min3A_783 = arith.constant 1.600000e+01 : f32
    %min3A_784 = arith.minimumf %reduce_sum3A_47, %min3A_783 : f32
    %add3A_785 = arith.addf %reduce_sum3A_5, %reduce_sum3A_769 : f32
    %add3A_786 = arith.addf %reduce_sum3A_35, %min3A_784 : f32
    %div3A_787 = arith.divf %add3A_785, %add3A_786 : f32
    %max3A_788 = arith.constant 1.000000e+00 : f32
    %max3A_789 = arith.maximumf %reduce_sum3A_35, %max3A_788 : f32
    %gt3A_790 = arith.constant 0.000000e+00 : f32
    %gt3A_791 = arith.cmpf ogt, %reduce_sum3A_35, %gt3A_790 : f32
    %div3A_792 = arith.divf %reduce_sum3A_11, %max3A_789 : f32
    %jit3A_793 = arith.constant 0.000000e+00 : f32
    %select_n3A_794 = arith.select %gt3A_791, %div3A_792, %jit3A_793 : f32
    %gt3A_795 = arith.constant 0.000000e+00 : f32
    %gt3A_796 = arith.cmpf ogt, %reduce_sum3A_35, %gt3A_795 : f32
    %div3A_797 = arith.divf %reduce_sum3A_17, %max3A_789 : f32
    %jit3A_798 = arith.constant 0.000000e+00 : f32
    %select_n3A_799 = arith.select %gt3A_796, %div3A_797, %jit3A_798 : f32
    %gt3A_800 = arith.constant 0.000000e+00 : f32
    %gt3A_801 = arith.cmpf ogt, %reduce_sum3A_35, %gt3A_800 : f32
    %div3A_802 = arith.divf %reduce_sum3A_23, %max3A_789 : f32
    %jit3A_803 = arith.constant 0.000000e+00 : f32
    %select_n3A_804 = arith.select %gt3A_801, %div3A_802, %jit3A_803 : f32
    %gt3A_805 = arith.constant 0.000000e+00 : f32
    %gt3A_806 = arith.cmpf ogt, %reduce_sum3A_35, %gt3A_805 : f32
    %div3A_807 = arith.divf %reduce_sum3A_29, %max3A_789 : f32
    %jit3A_808 = arith.constant 0.000000e+00 : f32
    %select_n3A_809 = arith.select %gt3A_806, %div3A_807, %jit3A_808 : f32
    %div3A_810 = arith.constant 0x4AD80000 : f32
    %div3A_811 = arith.divf %reduce_sum3A_53, %div3A_810 : f32
    %mul3A_812 = arith.constant 9.99999997E-7 : f32
    %mul3A_813 = arith.mulf %mul3A_812, %div3A_811 : f32
    %add3A_814 = arith.addf %div3A_787, %select_n3A_794 : f32
    %add3A_815 = arith.addf %add3A_814, %select_n3A_799 : f32
    %add3A_816 = arith.addf %add3A_815, %select_n3A_804 : f32
    %add3A_817 = arith.addf %add3A_816, %select_n3A_809 : f32
    %add3A_818 = arith.addf %add3A_817, %mul3A_813 : f32
    %iota3A_819 = tpu.iota {dimensions = array<i32: 1>} : vector<1x128xi32>
    %eq3A_820 = arith.constant 0 : i32
    %eq3A_821 = vector.broadcast %eq3A_820 : i32 to vector<1x128xi32>
    %eq3A_822 = arith.cmpi eq, %iota3A_819, %eq3A_821 : vector<1x128xi32>
    %eq3A_823 = arith.constant 1 : i32
    %eq3A_824 = vector.broadcast %eq3A_823 : i32 to vector<1x128xi32>
    %eq3A_825 = arith.cmpi eq, %iota3A_819, %eq3A_824 : vector<1x128xi32>
    %eq3A_826 = arith.constant 2 : i32
    %eq3A_827 = vector.broadcast %eq3A_826 : i32 to vector<1x128xi32>
    %eq3A_828 = arith.cmpi eq, %iota3A_819, %eq3A_827 : vector<1x128xi32>
    %eq3A_829 = arith.constant 3 : i32
    %eq3A_830 = vector.broadcast %eq3A_829 : i32 to vector<1x128xi32>
    %eq3A_831 = arith.cmpi eq, %iota3A_819, %eq3A_830 : vector<1x128xi32>
    %eq3A_832 = arith.constant 4 : i32
    %eq3A_833 = vector.broadcast %eq3A_832 : i32 to vector<1x128xi32>
    %eq3A_834 = arith.cmpi eq, %iota3A_819, %eq3A_833 : vector<1x128xi32>
    %eq3A_835 = arith.constant 5 : i32
    %eq3A_836 = vector.broadcast %eq3A_835 : i32 to vector<1x128xi32>
    %eq3A_837 = arith.cmpi eq, %iota3A_819, %eq3A_836 : vector<1x128xi32>
    %eq3A_838 = arith.constant 6 : i32
    %eq3A_839 = vector.broadcast %eq3A_838 : i32 to vector<1x128xi32>
    %eq3A_840 = arith.cmpi eq, %iota3A_819, %eq3A_839 : vector<1x128xi32>
    %eq3A_841 = arith.constant 7 : i32
    %eq3A_842 = vector.broadcast %eq3A_841 : i32 to vector<1x128xi32>
    %eq3A_843 = arith.cmpi eq, %iota3A_819, %eq3A_842 : vector<1x128xi32>
    %eq3A_844 = arith.constant 8 : i32
    %eq3A_845 = vector.broadcast %eq3A_844 : i32 to vector<1x128xi32>
    %eq3A_846 = arith.cmpi eq, %iota3A_819, %eq3A_845 : vector<1x128xi32>
    %eq3A_847 = arith.constant 9 : i32
    %eq3A_848 = vector.broadcast %eq3A_847 : i32 to vector<1x128xi32>
    %eq3A_849 = arith.cmpi eq, %iota3A_819, %eq3A_848 : vector<1x128xi32>
    %eq3A_850 = arith.constant 10 : i32
    %eq3A_851 = vector.broadcast %eq3A_850 : i32 to vector<1x128xi32>
    %eq3A_852 = arith.cmpi eq, %iota3A_819, %eq3A_851 : vector<1x128xi32>
    %jit3A_853 = arith.constant 0.000000e+00 : f32
    %broadcast_in_dim3A_854 = vector.broadcast %mul3A_813 : f32 to vector<1x128xf32>
    %broadcast_in_dim3A_855 = vector.broadcast %jit3A_853 : f32 to vector<1x128xf32>
    %select_n3A_856 = arith.select %eq3A_852, %broadcast_in_dim3A_854, %broadcast_in_dim3A_855 : vector<1x128xi1>, vector<1x128xf32>
    %broadcast_in_dim3A_857 = vector.broadcast %min3A_784 : f32 to vector<1x128xf32>
    %select_n3A_858 = arith.select %eq3A_849, %broadcast_in_dim3A_857, %select_n3A_856 : vector<1x128xi1>, vector<1x128xf32>
    %broadcast_in_dim3A_859 = vector.broadcast %reduce_sum3A_782 : f32 to vector<1x128xf32>
    %select_n3A_860 = arith.select %eq3A_846, %broadcast_in_dim3A_859, %select_n3A_858 : vector<1x128xi1>, vector<1x128xf32>
    %broadcast_in_dim3A_861 = vector.broadcast %reduce_sum3A_35 : f32 to vector<1x128xf32>
    %select_n3A_862 = arith.select %eq3A_843, %broadcast_in_dim3A_861, %select_n3A_860 : vector<1x128xi1>, vector<1x128xf32>
    %broadcast_in_dim3A_863 = vector.broadcast %reduce_sum3A_41 : f32 to vector<1x128xf32>
    %select_n3A_864 = arith.select %eq3A_840, %broadcast_in_dim3A_863, %select_n3A_862 : vector<1x128xi1>, vector<1x128xf32>
    %broadcast_in_dim3A_865 = vector.broadcast %select_n3A_809 : f32 to vector<1x128xf32>
    %select_n3A_866 = arith.select %eq3A_837, %broadcast_in_dim3A_865, %select_n3A_864 : vector<1x128xi1>, vector<1x128xf32>
    %broadcast_in_dim3A_867 = vector.broadcast %select_n3A_804 : f32 to vector<1x128xf32>
    %select_n3A_868 = arith.select %eq3A_834, %broadcast_in_dim3A_867, %select_n3A_866 : vector<1x128xi1>, vector<1x128xf32>
    %broadcast_in_dim3A_869 = vector.broadcast %select_n3A_799 : f32 to vector<1x128xf32>
    %select_n3A_870 = arith.select %eq3A_831, %broadcast_in_dim3A_869, %select_n3A_868 : vector<1x128xi1>, vector<1x128xf32>
    %broadcast_in_dim3A_871 = vector.broadcast %select_n3A_794 : f32 to vector<1x128xf32>
    %select_n3A_872 = arith.select %eq3A_828, %broadcast_in_dim3A_871, %select_n3A_870 : vector<1x128xi1>, vector<1x128xf32>
    %broadcast_in_dim3A_873 = vector.broadcast %div3A_787 : f32 to vector<1x128xf32>
    %select_n3A_874 = arith.select %eq3A_825, %broadcast_in_dim3A_873, %select_n3A_872 : vector<1x128xi1>, vector<1x128xf32>
    %broadcast_in_dim3A_875 = vector.broadcast %add3A_818 : f32 to vector<1x128xf32>
    %select_n3A_876 = arith.select %eq3A_822, %broadcast_in_dim3A_875, %select_n3A_874 : vector<1x128xi1>, vector<1x128xf32>
    %swap3A = arith.constant 0 : index
    %swap3A_877 = arith.constant 0 : index
    %swap3A_878 = vector.load %arg2[%swap3A, %swap3A_877] : memref<1x128xf32, #tpu.memory_space<vmem>>, vector<1x128xf32>
    tpu.vector_store %arg2[%swap3A, %swap3A_877], %select_n3A_876 {strides = array<i32>} : memref<1x128xf32, #tpu.memory_space<vmem>>, vector<1x128xf32>,
    return
  }
}

</mosaic_0001>

<sc_bundles>
// kernel: kernel.5.cloned.1.call-start
scs
__scs_entry_jumppad:
0x0: {  	(pc) =	sbr.rel $0x88, $3  }
0x1: {  	(tag) =	ssettag $0x0;
	lr =	simm.s32 $0x1  }
0x2: {  	[smem:$0x3F9D] =	sst lr;
	_ =	strace $0xD0000000  }
0x3: {  	_ = 	snop  }
0x4: {  	_ = 	snop  }
0x5: {  	_ = 	snop  }
0x6: {  	_ = 	snop  }
0x7: {  	_ = 	snop  }
__scs_overlays_trampoline_lowered:
0x8: {  	[smem:$0x3FAC] =	sst s0  }
0x9: {  	[smem:$0x3FAD] =	sst s1  }
0xa: {  	[smem:$0x3FAE] =	sst s2  }
0xb: {  	[smem:$0x3FAF] =	sst s3  }
0xc: {  	[smem:$0x3FB0] =	sst s4  }
0xd: {  	[smem:$0x3FB1] =	sst s5  }
0xe: {  	[smem:$0x3FB2] =	sst s6  }
0xf: {  	[smem:$0x3FB3] =	sst s7  }
0x10: {  	[smem:$0x3FB4] =	sst s8  }
0x11: {  	[smem:$0x3FB5] =	sst s9;
	s0 =	simm.s32 @!p0 $0x0  }
0x12: {  	s1 =	sld [smem:$0x3F9B];
	s0 =	simm.s32 @p0 $0x1  }
0x13: {  	[smem:$0x3FB6] =	sst s0;
	s0 =	simm.s32 @!p1 $0x0  }
0x14: {  	s2 =	sld [smem:$0x3F9A];
	s0 =	simm.s32 @p1 $0x1  }
0x15: {  	[smem:$0x3FB7] =	sst s0;
	s0 =	simm.s32 @!p2 $0x0  }
0x16: {  	s3 =	sld [smem:$0x3FDB];
	s0 =	simm.s32 @p2 $0x1  }
0x17: {  	s4 =	simm.s32 $0x1BF5;
	[smem:$0x3FB9] =	sst s0  }
0x18: {  	s0 =	sld [smem:$0x3F9C];
	_ =	swait.ge [sflag:s4], $0x0  }
0x19: {  	s7 =	sld [smem:$0x3F9D]  }
0x1a: {  	s8 =	sadd.s32 $0xFFFFE003, lr  }
0x1b: {  	s9 =	sadd.s32 $0xFFFFFEF7, lr;
	s5 =	simm.s32 $0xFFFFFFFF;
	p2 =	slt.u32 s8, $0xFFFFF086  }
0x1c: {  	p1 =	slt.u32 s9, $0xF7A;
	s5 =	simm.s32 @!p2 $0x0  }
0x1d: {  	s5 =	simm.s32 @p1 $0x1;
	p0 =	seq.s32 s7, s2  }
0x1e: {  	s7 =	smul.u32 @!p0 $0xF7A, s2;
	p2 =	seq.s32 @!p0 s5, $0x0  }
0x1f: {  	s9 =	smul.u32 $0xF7A, s1;
	s8 =	simm.s32 @!p0 $0x1BF5;
	p2 =	por !p2, p0  }
0x20: {  	[sflag:s8] =	ssyncset.s32 @!p0 $0xFFFFF086;
	s6 =	sadd.s32 @!p0 s3, s7;
	s7 =	simm.s32 @!p0 $0x108  }
0x21: {  	s3 =	sadd.s32 s3, s9;
	s6 =	sadd.s32 @!p0 $0x88, s6;
	s7 =	simm.s32 @p2 $0x1082  }
0x22: {  	[simem:s7], [sflag:s8] =	dma.local @!p0 [hbm:s6], $0xF7A  }
0x23: {  	s9 =	sor.u32 $0xD0000000, s2;
	s6 =	simm.s32 $0x108;
	_ =	swait.ge @!p0 [sflag:s8], $0x0  }
0x24: {  	s3 =	sadd.s32 $0x88, s3;
	s6 =	simm.s32 @!p1 $0x1082;
	[sflag:s4] =	ssyncset.s32 $0xFFFFF086  }
0x25: {  	[simem:s6], [sflag:s4] =	dma.local [hbm:s3], $0xF7A  }
0x26: {  	[smem:$0x3F9D] =	sst s1;
	(tag) =	ssettag s2;
	_ =	strace s9  }
0x27: {  	s1 =	sld [smem:$0x3FAD]  }
0x28: {  	s2 =	sld [smem:$0x3FAE]  }
0x29: {  	s4 =	sld [smem:$0x3FB0]  }
0x2a: {  	p0 =	seq.s32 s5, $0x0;
	s5 =	sld [smem:$0x3FB1]  }
0x2b: {  	s6 =	sld [smem:$0x3FB2]  }
0x2c: {  	s7 =	sld [smem:$0x3FB3]  }
0x2d: {  	s3 =	simm.s32 $0x108;
	s8 =	sld [smem:$0x3FB4]  }
0x2e: {  	s3 =	simm.s32 @!p0 $0x1082;
	s9 =	sld [smem:$0x3FB5]  }
0x2f: {  	lr =	sadd.s32 s0, s3;
	s0 =	sld [smem:$0x3FAC]  }
0x30: {  	s3 =	sld [smem:$0x3FAF]  }
0x31: {  	[smem:$0x3FB8] =	sst s10  }
0x32: {  	s10 =	sld [smem:$0x3FB6];
	_ =	sdelay $0x3  }
0x33: {  	p0 =	seq.s32 s10, $0x1;
	s10 =	sld [smem:$0x3FB8];
	_ =	sdelay $0x3  }
0x34: {  	[smem:$0x3FB8] =	sst s10  }
0x35: {  	s10 =	sld [smem:$0x3FB7];
	_ =	sdelay $0x3  }
0x36: {  	p1 =	seq.s32 s10, $0x1;
	s10 =	sld [smem:$0x3FB8];
	_ =	sdelay $0x3  }
0x37: {  	[smem:$0x3FB8] =	sst s10  }
0x38: {  	s10 =	sld [smem:$0x3FB9]  }
0x39: {  	_ = 	snop;
	(pc) =	sbr.ind lr, $3  }
0x3a: {  	_ = 	snop  }
0x3b: {  	_ = 	snop  }
0x3c: {  	p2 =	seq.s32 s10, $0x1;
	s10 =	sld [smem:$0x3FB8]  }
0x3d: {  	_ =	shalt  }
0x3e: {  	_ =	shalt  }
0x3f: {  	_ =	shalt  }
0x40: {  	_ =	shalt  }
0x41: {  	_ =	shalt  }
0x42: {  	_ =	shalt  }
0x43: {  	_ =	shalt  }
0x44: {  	_ =	shalt  }
0x45: {  	_ =	shalt  }
0x46: {  	_ =	shalt  }
0x47: {  	_ =	shalt  }
0x48: {  	_ =	shalt  }
0x49: {  	_ =	shalt  }
0x4a: {  	_ =	shalt  }
0x4b: {  	_ =	shalt  }
0x4c: {  	_ =	shalt  }
0x4d: {  	_ =	shalt  }
0x4e: {  	_ =	shalt  }
0x4f: {  	_ =	shalt  }
0x50: {  	_ =	shalt  }
0x51: {  	_ =	shalt  }
0x52: {  	_ =	shalt  }
0x53: {  	_ =	shalt  }
0x54: {  	_ =	shalt  }
0x55: {  	_ =	shalt  }
0x56: {  	_ =	shalt  }
0x57: {  	_ =	shalt  }
0x58: {  	_ =	shalt  }
0x59: {  	_ =	shalt  }
0x5a: {  	_ =	shalt  }
0x5b: {  	_ =	shalt  }
0x5c: {  	_ =	shalt  }
0x5d: {  	_ =	shalt  }
0x5e: {  	_ =	shalt  }
0x5f: {  	_ =	shalt  }
0x60: {  	_ =	shalt  }
0x61: {  	_ =	shalt  }
0x62: {  	_ =	shalt  }
0x63: {  	_ =	shalt  }
0x64: {  	_ =	shalt  }
0x65: {  	_ =	shalt  }
0x66: {  	_ =	shalt  }
0x67: {  	_ =	shalt  }
0x68: {  	_ =	shalt  }
0x69: {  	_ =	shalt  }
0x6a: {  	_ =	shalt  }
0x6b: {  	_ =	shalt  }
0x6c: {  	_ =	shalt  }
0x6d: {  	_ =	shalt  }
0x6e: {  	_ =	shalt  }
0x6f: {  	_ =	shalt  }
0x70: {  	_ =	shalt  }
0x71: {  	_ =	shalt  }
0x72: {  	_ =	shalt  }
0x73: {  	_ =	shalt  }
0x74: {  	_ =	shalt  }
0x75: {  	_ =	shalt  }
0x76: {  	_ =	shalt  }
0x77: {  	_ =	shalt  }
0x78: {  	_ =	shalt  }
0x79: {  	_ =	shalt  }
0x7a: {  	_ =	shalt  }
0x7b: {  	_ =	shalt  }
0x7c: {  	_ =	shalt  }
0x7d: {  	_ =	shalt  }
0x7e: {  	_ =	shalt  }
0x7f: {  	_ =	shalt  }
0x80: {  	_ =	shalt  }
0x81: {  	_ =	shalt  }
0x82: {  	_ =	shalt  }
0x83: {  	_ =	shalt  }
0x84: {  	_ =	shalt  }
0x85: {  	_ =	shalt  }
0x86: {  	_ =	shalt  }
0x87: {  	_ =	shalt  }
.Lfunc_end0:
.L_simem_size_0:
called_computation_lowered:
.L_overlay_start_0:
0x88: {  	s2 =	sld [smem:$0x3FD9]  }
0x89: {  	s3 =	sld [smem:$0x3FFE];
	_ =	sdelay $0x1  }
0x8a: {  	s1 =	srdreg.scid  }
0x8b: {  	s0 =	sand.u32 $0x1, s1  }
0x8c: {  	s16 =	sshll.u32 s0, $0xA;
	s2 =	sadd.s32 s3, s2  }
0x8d: {  	s2 =	sadd.s32 s2, s16  }
0x8e: {  	[smem:$0x3FC4] =	sst s2  }
0x8f: {  	_ = 	snop  }
0x90: {  	(tm) =	ssettm $0x1  }
0x91: {  	s17 =	sld [smem:$0x3FFB];
	_ =	sdelay $0x3  }
0x92: {  	_ =	strace s17  }
0x93: {  	s2 =	sld [smem:$0x3FFC];
	_ =	sdelay $0x3  }
0x94: {  	_ =	strace s2  }
0x95: {  	s2 =	sld [smem:$0x3FFD];
	_ =	sdelay $0x3  }
0x96: {  	_ =	strace s2  }
0x97: {  	_ =	strace $0x8FFFFFFF  }
0x98: {  	s18 =	sld [smem:$0x3FDB];
	_ =	sdelay $0x1  }
0x99: {  	s19 =	simm.s32 $_scs_section_size  }
0x9a: {  	s4 =	simm.s32 $_size__tile_overlayer_lowered;
	s5 =	simm.s32 $_tile_overlayer_lowered  }
0x9b: {  	s22 =	simm.s32 $0x1BFF;
	s21 =	sshll.u32 s5, $0x1;
	s2 =	sadd.s32 s19, s18  }
0x9c: {  	s6 =	simm.s32 $0x0;
	s20 =	sshll.u32 s4, $0x1;
	s4 =	sadd.s32 s21, s2  }
0x9d: {  	[timem:s6], [sflag:s22] =	dma.local [hbm:s4], s20  }
0x9e: {  	_ =	swait.ge [sflag:s22], s20  }
0x9f: {  	s3 =	ssub.s32 $0x0, s20;
	[sflag:s22] =	ssyncset.done $0x0  }
0xa0: {  	[sflag:s22] =	ssyncadd.s32 s3;
	_ =	sdelay $0x1  }
0xa1: {  	s23 =	simm.s32 $0x1B8B  }
0xa2: {  	_ =	swait.ge [sflag:s23], $0x1  }
0xa3: {  	[sflag:s23] =	ssyncset.done $0x0  }
0xa4: {  	s25 =	simm.s32 $0x1B8E;
	s24 =	sld [smem:$0x3FFE];
	[sflag:s23] =	ssyncadd.s32 $0xFFFFFFFF  }
0xa5: {  	s26 =	simm.s32 $execute0_lowered;
	[smem:$0x3FD2] =	sst s25  }
0xa6: {  	s4 =	sshll.u32 s26, $0x1;
	_ =	strace $0x80000046;
	[dreg:$0x1] =	wrdreg $0xFFFFFFFF  }
0xa7: {  	s28 =	simm.s32 $_size_execute0_lowered;
	s2 =	sadd.s32 s2, s4;
	[dreg:$0x0] =	wrdreg $0x0  }
0xa8: {  	s4 =	sshll.u32 s28, $0x1;
	[dreg:$0x2] =	wrdreg s2  }
0xa9: {  	[dreg:$0x3] =	wrdreg s4  }
0xaa: {  	[dreg:$0x4] =	wrdreg $0xC0  }
0xab: {  	_ =	task [dreg:s6], $0x5FFFF  }
0xac: {  	[dreg:$0x1] =	wrdreg $0xFFFFFFFF  }
0xad: {  	[dreg:$0x0] =	wrdreg $0x60  }
0xae: {  	[dreg:$0x2] =	wrdreg s24  }
0xaf: {  	[dreg:$0x3] =	wrdreg $0x9  }
0xb0: {  	_ =	task.clear_ibuf [dreg:s6], $0x4FFFF;
	_ =	strace $0x90000046  }
0xb1: {  	s29 =	simm.s32 $0x9;
	_ =	strace $0x80000048  }
0xb2: {  	_ =	swait.ge [sflag:s29], $0x1  }
0xb3: {  	[sflag:s29] =	ssyncadd.s32 $0xFFFFFFFF  }
0xb4: {  	_ =	strace $0x90000048  }
0xb5: {  	_ =	sfence  }
0xb6: {  	s30 =	sld [smem:$0x0];
	_ =	sdelay $0x2  }
0xb7: {  	s31 =	sshll.u32 s1, $0xD;
	s1 =	sshrl.u32 s1, $0x2  }
0xb8: {  	s3 =	sand.u32 $0x4000, s31;
	s1 =	sadd.s32 s1, s30  }
0xb9: {  	s0 =	sor.u32 s3, s0;
	s1 =	sshll.u32 s1, $0x11  }
0xba: {  	s0 =	sor.u32 s1, s0  }
0xbb: {  	s0 =	sadd.s32 $0x8F2B, s0  }
0xbc: {  	[sflag:s0] =	ssyncadd.remote.s32 $0x1  }
0xbd: {  	_ =	sfence.sel $0xFFFF  }
0xbe: {  	[dreg:$0x0] =	wrdreg $0xFFFFFFFF;
	(pc) =	sbr.abs _section_cstart, $3  }
0xbf: {  	[dreg:$0x1] =	wrdreg $0xFFFFFFFF  }
0xc0: {  	_ =	task.clear_ibuf [dreg:s6], $0x2FFFF;
	_ =	strace $0x9FFFFFFF  }
0xc1: {  	(tm) =	ssettm $0x7FFFFFFF  }
tec
execute0_lowered:
.L_overlay_start_1:
0x0: {  	(tag) =	ssettag $0x1  }
0x1: {  	s1 =	srdreg.scid  }
0x2: {  	s0 =	stileid.u32;
	s3 =	rddreg [dreg:$0x0];
	s2 =	simm.s32 $0x0  }
0x3: {  	s8 =	simm.s32 $0x0;
	s4 =	sand.u32 $0x1, s1;
	s1 =	rddreg [dreg:$0x1]  }
0x4: {  	s11 =	simm.s32 $0x0;
	s5 =	sshll.u32 s0, $0x1;
	[smem:$0x7FF] =	sst s2  }
.Ltmp0:
0x5: {  	s5 =	sor.u32 s4, s5;
	s4 =	ssub.s32 $0x2, s4;
	(pc) =	sbr.rel .LBB2_1-.Ltmp0, $4  }
0x6: {  	s6 =	smul.u32 $0x1B00, s5;
	s5 =	sshll.u32 s5, $0x4;
	s7 =	sshrl.u32 s4, $0x1  }
0x7: {  	_ =	strace $0x80000047;
	s5 =	sadd.s32 s5, s3;
	s7 =	ssub.s32 s4, s7  }
0x8: {  	s6 =	sadd.s32 s6, s3;
	s4 =	sadd.s32 $0x36A00, s5;
	s5 =	smax.u32 s7, $0x1  }
0x9: {  	v0 =	vimm.s32 $0x0;
	v1 =	vimm.f32 $0.0e+00;
	s7 =	simm.s32 $0xD800;
	s3 =	sadd.s32 $0xA00, s6;
	s6 =	simm.s32 $0x1  }
.LBB2_7:
0xa: {  	s8 =	sadd.s32 $0x1, s8  }
0xb: {  	p0 =	sne.s32 s8, s5  }
.Ltmp1:
0xc: {  	[tilespmem:$0xD800] =	vst v7;
	(pc) =	sbr.rel @!p0 .LBB2_8-.Ltmp1, $4  }
0xd: {  	[hbm4b:s4+s2] =	stream.linear.scatter [tilespmem:s7], [sflag:$0x1], $0x80, $0x38;
	[tilespmem:$0xD880] =	vst v63  }
0xe: {  	_ =	swait.ge [sflag:s6], $0x80  }
0xf: {  	[sflag:s6] =	ssyncset.done $0x0  }
0x10: {  	[sflag:s6] =	ssyncadd.s32 $0xFFFFFF80  }
.LBB2_1:
0x11: {  	[tilespmem:s2], [sflag:$0x1] =	stream.linear.gather [hbm4b:s3+s2], $0xD800, $0x38;
	[tilespmem:$0xD880] =	vst v63  }
0x12: {  	_ =	swait.ge [sflag:s6], $0xD800  }
0x13: {  	[sflag:s6] =	ssyncset.done $0x0  }
0x14: {  	[sflag:s6] =	ssyncadd.s32 $0xFFFF2800  }
0x15: {  	v3 =	vld [tilespmem:s11+$0x0]  }
0x16: {  	v6 =	vld [tilespmem:s11+$0x10]  }
0x17: {  	v7 =	vld [tilespmem:s11+$0x80]  }
0x18: {  	v4 =	vld [tilespmem:s11+$0x90]  }
0x19: {  	v8 =	vimm.f32 $-Inf;
	v5 =	vld [tilespmem:s11+$0x100]  }
0x1a: {  	v2 =	vld [tilespmem:s11+$0x110];
	v8 =	vmax.f32 v8, v3  }
0x1b: {  	v3 =	vld [tilespmem:s11+$0x180];
	v8 =	vmax.f32 v8, v6  }
0x1c: {  	s9 =	simm.s32 $0x200;
	s10 =	simm.s32 $0x1000;
	v6 =	vld [tilespmem:s11+$0x190];
	v7 =	vmax.f32 v8, v7  }
.LBB2_2:
0x1d: {  	p0 =	sne.s32 s10, $0x35800;
	v8 =	vld [tilespmem:s9+$0x0];
	v4 =	vmax.f32 v7, v4  }
0x1e: {  	v7 =	vld [tilespmem:s9+$0x10];
	v4 =	vmax.f32 v4, v5  }
0x1f: {  	v9 =	vld [tilespmem:s9+$0x80];
	v2 =	vmax.f32 v4, v2  }
.Ltmp2:
0x20: {  	v4 =	vld [tilespmem:s9+$0x90];
	v2 =	vmax.f32 v2, v3;
	(pc) =	sbr.rel @p0 .LBB2_2-.Ltmp2, $4  }
0x21: {  	v5 =	vld [tilespmem:s9+$0x100];
	v3 =	vmax.f32 v2, v6  }
0x22: {  	v2 =	vld [tilespmem:s9+$0x110];
	v6 =	vmax.f32 v3, v8  }
0x23: {  	v3 =	vld [tilespmem:s9+$0x180];
	v7 =	vmax.f32 v6, v7  }
0x24: {  	v6 =	vld [tilespmem:s9+$0x190];
	s9 =	sshra.s32 s10, $0x2;
	s10 =	sadd.s32 $0x800, s10;
	v7 =	vmax.f32 v7, v9  }
0x25: {  	v8 =	vld [tilespmem:s9+$0x0];
	v4 =	vmax.f32 v7, v4  }
0x26: {  	v7 =	vld [tilespmem:s9+$0x10];
	v4 =	vmax.f32 v4, v5  }
0x27: {  	v5 =	vld [tilespmem:s9+$0x80];
	v2 =	vmax.f32 v4, v2  }
0x28: {  	v4 =	vld [tilespmem:s9+$0x90];
	v2 =	vmax.f32 v2, v3  }
0x29: {  	v3 =	vld [tilespmem:s9+$0x100];
	v2 =	vmax.f32 v2, v6  }
0x2a: {  	v6 =	vld [tilespmem:s9+$0x110];
	v2 =	vmax.f32 v2, v8  }
0x2b: {  	v8 =	vld [tilespmem:s9+$0x180];
	v2 =	vmax.f32 v2, v7  }
0x2c: {  	v7 =	vld [tilespmem:s9+$0x190];
	v2 =	vmax.f32 v2, v5  }
0x2d: {  	v2 =	vmax.f32 v2, v4  }
0x2e: {  	v2 =	vmax.f32 v2, v3  }
0x2f: {  	v2 =	vmax.f32 v2, v6  }
0x30: {  	v2 =	vmax.f32 v2, v8  }
0x31: {  	v2 =	vmax.f32 v2, v7  }
0x32: {  	(xrf1) =	vsort.ascd.msk.f32 $0xffff, v2, v2;
	_ =	sdelay $0xa  }
.Ltmp3:
0x33: {  	_ = 	snop;
	(pc) =	sbr.rel .LBB2_4-.Ltmp3, $3  }
0x34: {  	_ =	sdelay $0x1  }
0x35: {  	v7, _, _ =	vpop (xrf1)  }
0x36: {  	s9 =	simm.s32 $0x0;
	v9 =	vperm.xlane v7, v0  }
.LBB2_6:
0x37: {  	s9 =	sadd.s32 $0x800, s9  }
0x38: {  	p0 =	sne.s32 s9, $0x36000  }
.Ltmp4:
0x39: {  	_ = 	snop;
	(pc) =	sbr.rel @!p0 .LBB2_7-.Ltmp4, $1  }
0x3a: {  	_ =	sdelay $0x3  }
.LBB2_4:
0x3b: {  	s10 =	sshra.s32 s9, $0x2  }
0x3c: {  	v11 =	vld [tilespmem:s10+$0x0]  }
0x3d: {  	v10 =	vld [tilespmem:s10+$0x10]  }
0x3e: {  	v8 =	vld [tilespmem:s10+$0x80]  }
0x3f: {  	v6 =	vld [tilespmem:s10+$0x90]  }
0x40: {  	v5 =	vld [tilespmem:s10+$0x100]  }
0x41: {  	v4 =	vld [tilespmem:s10+$0x110]  }
0x42: {  	v3 =	vld [tilespmem:s10+$0x180];
	v12 =	vmax.f32 v11, v10  }
0x43: {  	v2 =	vld [tilespmem:s10+$0x190];
	v12 =	vmax.f32 v12, v8  }
0x44: {  	v12 =	vmax.f32 v12, v6  }
0x45: {  	v12 =	vmax.f32 v12, v5  }
0x46: {  	v12 =	vmax.f32 v12, v4  }
0x47: {  	v12 =	vmax.f32 v12, v3  }
0x48: {  	v12 =	vmax.f32 v12, v2  }
0x49: {  	vm0 =	vgt.f32 v12, v9  }
0x4a: {  	v12 =	vsel vm0, $0x3F800000, v1  }
0x4b: {  	(xrf0) =	vmax.scan.msk.f32 $0xffff, v12;
	_ =	sdelay $0x5  }
0x4c: {  	v12, _, _ =	vpop (xrf0)  }
0x4d: {  	(v2sf) =	vpush v12, $0xF;
	_ =	sdelay $0xe  }
0x4e: {  	s31 =	spop (v2sf)  }
0x4f: {  	p0 =	sgt.f32 s31, $0.0e+00  }
.Ltmp5:
0x50: {  	_ = 	snop;
	(pc) =	sbr.rel @!p0 .LBB2_6-.Ltmp5, $1  }
0x51: {  	_ =	sdelay $0x3  }
0x52: {  	vm0 =	vgt.f32 v11, v9  }
0x53: {  	v12 =	vsel vm0, $0x3F800000, v1  }
0x54: {  	(xrf0) =	vmax.scan.msk.f32 $0xffff, v12;
	_ =	sdelay $0x5  }
0x55: {  	v12, _, _ =	vpop (xrf0)  }
0x56: {  	(v2sf) =	vpush v12, $0xF;
	_ =	sdelay $0xe  }
0x57: {  	s10 =	spop (v2sf)  }
0x58: {  	p1 =	sgt.f32 s10, $0.0e+00;
	_ =	sdelay $0x1  }
0x59: {  	(xrf1) =	vsort.ascd.msk.f32 @p1 $0xffff, v11, v11;
	_ =	sdelay $0xa  }
0x5a: {  	v11 =	vlaneseq.u32 @p1  }
0x5b: {  	v11 =	vmul.u32 @p1 $0xFFFFFFFF, v11;
	_ =	sdelay $0x1  }
0x5c: {  	v11 =	vadd.s32 @p1 $0xF, v11;
	v12, _, _ =	vpop @p1 (xrf1)  }
0x5d: {  	v11 =	vperm.xlane @p1 v12, v11;
	_ =	sdelay $0x1  }
0x5e: {  	v11 =	vmax.f32 @p1 v7, v11  }
0x5f: {  	(xrf1) =	vsort.ascd.msk.f32 @p1 $0xffff, v11, v11;
	_ =	sdelay $0xd  }
0x60: {  	v12 =	vimm.s32 @p1 $0x0;
	v11, _, _ =	vpop @p1 (xrf1)  }
0x61: {  	v12 =	vperm.xlane @p1 v11, v12;
	_ =	sdelay $0x1  }
0x62: {  	v9 =	vpsel p1, v12, v9  }
0x63: {  	vm9 =	vgt.f32 v10, v9  }
0x64: {  	v63 =	vsel vm9, $0x3F800000, v1  }
0x65: {  	(xrf0) =	vmax.scan.msk.f32 $0xffff, v63;
	_ =	sdelay $0x5  }
0x66: {  	v12, _, _ =	vpop (xrf0)  }
0x67: {  	(v2sf) =	vpush v12, $0xF;
	_ =	sdelay $0xe  }
0x68: {  	s24 =	spop (v2sf)  }
0x69: {  	p0 =	sgt.f32 s24, $0.0e+00;
	_ =	sdelay $0x1  }
0x6a: {  	(xrf1) =	vsort.ascd.msk.f32 @p0 $0xffff, v10, v10;
	_ =	sdelay $0xa  }
0x6b: {  	v10 =	vlaneseq.u32 @p0  }
0x6c: {  	v10 =	vmul.u32 @p0 $0xFFFFFFFF, v10;
	_ =	sdelay $0x1  }
0x6d: {  	v10 =	vadd.s32 @p0 $0xF, v10;
	v12, _, _ =	vpop @p0 (xrf1)  }
0x6e: {  	v10 =	vperm.xlane @p0 v12, v10  }
0x6f: {  	v7 =	vpsel p1, v11, v7  }
0x70: {  	v10 =	vmax.f32 @p0 v7, v10  }
0x71: {  	(xrf1) =	vsort.ascd.msk.f32 @p0 $0xffff, v10, v10;
	_ =	sdelay $0xd  }
0x72: {  	v11 =	vimm.s32 @p0 $0x0;
	v10, _, _ =	vpop @p0 (xrf1)  }
0x73: {  	v11 =	vperm.xlane @p0 v10, v11;
	_ =	sdelay $0x1  }
0x74: {  	v9 =	vpsel p0, v11, v9  }
0x75: {  	vm10 =	vgt.f32 v8, v9  }
0x76: {  	v11 =	vsel vm10, $0x3F800000, v1  }
0x77: {  	(xrf0) =	vmax.scan.msk.f32 $0xffff, v11;
	_ =	sdelay $0x5  }
0x78: {  	v11, _, _ =	vpop (xrf0)  }
0x79: {  	(v2sf) =	vpush v11, $0xF;
	_ =	sdelay $0xe  }
0x7a: {  	s25 =	spop (v2sf)  }
0x7b: {  	p1 =	sgt.f32 s25, $0.0e+00;
	_ =	sdelay $0x1  }
0x7c: {  	(xrf1) =	vsort.ascd.msk.f32 @p1 $0xffff, v8, v8;
	_ =	sdelay $0xa  }
0x7d: {  	v8 =	vlaneseq.u32 @p1  }
0x7e: {  	v8 =	vmul.u32 @p1 $0xFFFFFFFF, v8;
	_ =	sdelay $0x1  }
0x7f: {  	v8 =	vadd.s32 @p1 $0xF, v8;
	v11, _, _ =	vpop @p1 (xrf1)  }
0x80: {  	v8 =	vperm.xlane @p1 v11, v8  }
0x81: {  	v7 =	vpsel p0, v10, v7  }
0x82: {  	v8 =	vmax.f32 @p1 v7, v8  }
0x83: {  	(xrf1) =	vsort.ascd.msk.f32 @p1 $0xffff, v8, v8;
	_ =	sdelay $0xd  }
0x84: {  	v10 =	vimm.s32 @p1 $0x0;
	v8, _, _ =	vpop @p1 (xrf1)  }
0x85: {  	v10 =	vperm.xlane @p1 v8, v10;
	_ =	sdelay $0x1  }
0x86: {  	v9 =	vpsel p1, v10, v9  }
0x87: {  	vm11 =	vgt.f32 v6, v9  }
0x88: {  	v10 =	vsel vm11, $0x3F800000, v1  }
0x89: {  	(xrf0) =	vmax.scan.msk.f32 $0xffff, v10;
	_ =	sdelay $0x5  }
0x8a: {  	v10, _, _ =	vpop (xrf0)  }
0x8b: {  	(v2sf) =	vpush v10, $0xF;
	_ =	sdelay $0xe  }
0x8c: {  	s26 =	spop (v2sf)  }
0x8d: {  	p0 =	sgt.f32 s26, $0.0e+00;
	_ =	sdelay $0x1  }
0x8e: {  	(xrf1) =	vsort.ascd.msk.f32 @p0 $0xffff, v6, v6;
	_ =	sdelay $0xa  }
0x8f: {  	v6 =	vlaneseq.u32 @p0  }
0x90: {  	v6 =	vmul.u32 @p0 $0xFFFFFFFF, v6;
	_ =	sdelay $0x1  }
0x91: {  	v6 =	vadd.s32 @p0 $0xF, v6;
	v10, _, _ =	vpop @p0 (xrf1)  }
0x92: {  	v6 =	vperm.xlane @p0 v10, v6  }
0x93: {  	v7 =	vpsel p1, v8, v7  }
0x94: {  	v6 =	vmax.f32 @p0 v7, v6  }
0x95: {  	(xrf1) =	vsort.ascd.msk.f32 @p0 $0xffff, v6, v6;
	_ =	sdelay $0xd  }
0x96: {  	v8 =	vimm.s32 @p0 $0x0;
	v6, _, _ =	vpop @p0 (xrf1)  }
0x97: {  	v8 =	vperm.xlane @p0 v6, v8;
	_ =	sdelay $0x1  }
0x98: {  	v8 =	vpsel p0, v8, v9  }
0x99: {  	vm12 =	vgt.f32 v5, v8  }
0x9a: {  	v9 =	vsel vm12, $0x3F800000, v1  }
0x9b: {  	(xrf0) =	vmax.scan.msk.f32 $0xffff, v9;
	_ =	sdelay $0x5  }
0x9c: {  	v9, _, _ =	vpop (xrf0)  }
0x9d: {  	(v2sf) =	vpush v9, $0xF;
	_ =	sdelay $0xe  }
0x9e: {  	s28 =	spop (v2sf)  }
0x9f: {  	p1 =	sgt.f32 s28, $0.0e+00;
	_ =	sdelay $0x1  }
0xa0: {  	(xrf1) =	vsort.ascd.msk.f32 @p1 $0xffff, v5, v5;
	_ =	sdelay $0xa  }
0xa1: {  	v5 =	vlaneseq.u32 @p1  }
0xa2: {  	v5 =	vmul.u32 @p1 $0xFFFFFFFF, v5;
	_ =	sdelay $0x1  }
0xa3: {  	v5 =	vadd.s32 @p1 $0xF, v5;
	v9, _, _ =	vpop @p1 (xrf1)  }
0xa4: {  	v5 =	vperm.xlane @p1 v9, v5  }
0xa5: {  	v6 =	vpsel p0, v6, v7  }
0xa6: {  	v5 =	vmax.f32 @p1 v6, v5  }
0xa7: {  	(xrf1) =	vsort.ascd.msk.f32 @p1 $0xffff, v5, v5;
	_ =	sdelay $0xd  }
0xa8: {  	v7 =	vimm.s32 @p1 $0x0;
	v5, _, _ =	vpop @p1 (xrf1)  }
0xa9: {  	v7 =	vperm.xlane @p1 v5, v7;
	_ =	sdelay $0x1  }
0xaa: {  	v7 =	vpsel p1, v7, v8  }
0xab: {  	vm13 =	vgt.f32 v4, v7  }
0xac: {  	v8 =	vsel vm13, $0x3F800000, v1  }
0xad: {  	(xrf0) =	vmax.scan.msk.f32 $0xffff, v8;
	_ =	sdelay $0x5  }
0xae: {  	v8, _, _ =	vpop (xrf0)  }
0xaf: {  	(v2sf) =	vpush v8, $0xF;
	_ =	sdelay $0xe  }
0xb0: {  	s29 =	spop (v2sf)  }
0xb1: {  	p0 =	sgt.f32 s29, $0.0e+00;
	_ =	sdelay $0x1  }
0xb2: {  	(xrf1) =	vsort.ascd.msk.f32 @p0 $0xffff, v4, v4;
	_ =	sdelay $0xa  }
0xb3: {  	v4 =	vlaneseq.u32 @p0  }
0xb4: {  	v4 =	vmul.u32 @p0 $0xFFFFFFFF, v4;
	_ =	sdelay $0x1  }
0xb5: {  	v4 =	vadd.s32 @p0 $0xF, v4;
	v8, _, _ =	vpop @p0 (xrf1)  }
0xb6: {  	v4 =	vperm.xlane @p0 v8, v4  }
0xb7: {  	v5 =	vpsel p1, v5, v6  }
0xb8: {  	v4 =	vmax.f32 @p0 v5, v4  }
0xb9: {  	(xrf1) =	vsort.ascd.msk.f32 @p0 $0xffff, v4, v4;
	_ =	sdelay $0xd  }
0xba: {  	v6 =	vimm.s32 @p0 $0x0;
	v4, _, _ =	vpop @p0 (xrf1)  }
0xbb: {  	v6 =	vperm.xlane @p0 v4, v6;
	_ =	sdelay $0x1  }
0xbc: {  	v6 =	vpsel p0, v6, v7  }
0xbd: {  	vm14 =	vgt.f32 v3, v6  }
0xbe: {  	v7 =	vsel vm14, $0x3F800000, v1  }
0xbf: {  	(xrf0) =	vmax.scan.msk.f32 $0xffff, v7;
	_ =	sdelay $0x5  }
0xc0: {  	v7, _, _ =	vpop (xrf0)  }
0xc1: {  	(v2sf) =	vpush v7, $0xF;
	_ =	sdelay $0xe  }
0xc2: {  	s30 =	spop (v2sf)  }
0xc3: {  	p1 =	sgt.f32 s30, $0.0e+00;
	_ =	sdelay $0x1  }
0xc4: {  	(xrf1) =	vsort.ascd.msk.f32 @p1 $0xffff, v3, v3;
	_ =	sdelay $0xa  }
0xc5: {  	v3 =	vlaneseq.u32 @p1  }
0xc6: {  	v3 =	vmul.u32 @p1 $0xFFFFFFFF, v3;
	_ =	sdelay $0x1  }
0xc7: {  	v3 =	vadd.s32 @p1 $0xF, v3;
	v7, _, _ =	vpop @p1 (xrf1)  }
0xc8: {  	v3 =	vperm.xlane @p1 v7, v3  }
0xc9: {  	v4 =	vpsel p0, v4, v5  }
0xca: {  	v3 =	vmax.f32 @p1 v4, v3  }
0xcb: {  	(xrf1) =	vsort.ascd.msk.f32 @p1 $0xffff, v3, v3;
	_ =	sdelay $0xd  }
0xcc: {  	v5 =	vimm.s32 @p1 $0x0;
	v3, _, _ =	vpop @p1 (xrf1)  }
0xcd: {  	v5 =	vperm.xlane @p1 v3, v5;
	_ =	sdelay $0x1  }
0xce: {  	v5 =	vpsel p1, v5, v6  }
0xcf: {  	vm15 =	vgt.f32 v2, v5  }
0xd0: {  	v6 =	vsel vm15, $0x3F800000, v1  }
0xd1: {  	(xrf0) =	vmax.scan.msk.f32 $0xffff, v6;
	_ =	sdelay $0x5  }
0xd2: {  	v6, _, _ =	vpop (xrf0)  }
0xd3: {  	(v2sf) =	vpush v6, $0xF;
	_ =	sdelay $0xe  }
0xd4: {  	s31 =	spop (v2sf)  }
0xd5: {  	p0 =	sgt.f32 s31, $0.0e+00;
	_ =	sdelay $0x1  }
0xd6: {  	(xrf1) =	vsort.ascd.msk.f32 @p0 $0xffff, v2, v2;
	_ =	sdelay $0xa  }
0xd7: {  	v2 =	vlaneseq.u32 @p0  }
0xd8: {  	v2 =	vmul.u32 @p0 $0xFFFFFFFF, v2;
	_ =	sdelay $0x1  }
0xd9: {  	v2 =	vadd.s32 @p0 $0xF, v2;
	v6, _, _ =	vpop @p0 (xrf1)  }
0xda: {  	v2 =	vperm.xlane @p0 v6, v2  }
0xdb: {  	v3 =	vpsel p1, v3, v4  }
0xdc: {  	v2 =	vmax.f32 @p0 v3, v2  }
0xdd: {  	(xrf1) =	vsort.ascd.msk.f32 @p0 $0xffff, v2, v2;
	_ =	sdelay $0xc  }
.Ltmp6:
0xde: {  	_ = 	snop;
	(pc) =	sbr.rel .LBB2_6-.Ltmp6, $3  }
0xdf: {  	v4 =	vimm.s32 @p0 $0x0;
	v2, _, _ =	vpop @p0 (xrf1)  }
0xe0: {  	v4 =	vperm.xlane @p0 v2, v4;
	_ =	sdelay $0x1  }
0xe1: {  	v7 =	vpsel p0, v2, v3;
	v9 =	vpsel p0, v4, v5  }
.LBB2_8:
0xe2: {  	_ =	sfence.sel $0x180000  }
0xe3: {  	[bflag:$0x0] =	sbarrier.arrive $0xFFFF  }
0xe4: {  	p0 =	sne.s32 s0, $0x0;
	_ =	strace $0x90000047  }
0xe5: {  	s0 =	sadd.s32 @!p0 $0x100000, s1;
	[bflag:$0x2] =	sbarrier.arrive $0xFFFF  }
0xe6: {  	[sflag:s0] =	ssyncadd.tile.s32 @!p0 $0x1;
	_ =	shalt  }
.Lfunc_end2:
_tile_overlayer_lowered:
.L_overlay_start_2:
0xe7: {  	(tag) =	ssettag $0x2  }
0xe8: {  	s0 =	rddreg [dreg:$0x0];
	s2 =	stileid.u32  }
0xe9: {  	s1 =	rddreg [dreg:$0x1];
	p0 =	sne.s32 s2, $0x0  }
0xea: {  	s3 =	rddreg [dreg:$0x2];
	[bflag:$0x3] =	sbarrier.arrive $0xFFFF;
	s2 =	simm.s32 @!p0 $0x1C01  }
0xeb: {  	[timem:s3], [sflag:s2] =	dma.local @!p0 [hbm:s0], s1  }
0xec: {  	s0 =	simm.s32 @!p0 $0x1  }
0xed: {  	_ =	swait.ge @!p0 [sflag:s0], s1  }
0xee: {  	s1 =	ssub.s32 @!p0 $0x0, s1;
	[sflag:s0] =	ssyncset.done @!p0 $0x0  }
0xef: {  	[sflag:s0] =	ssyncadd.s32 @!p0 s1  }
0xf0: {  	[bflag:$0x3] =	sbarrier.arrive $0xFFFF  }
0xf1: {  	_ =	shalt  }

</sc_bundles>
